<compile_context>
chip_gen: v7x
topology: tpu7x:2x2x1
jax: 0.10.2.dev20260603
libtpu: 0.0.44.dev20260713+nightly
codegen_flags: <defaults>
</compile_context>

<pallas_src>
import functools

import jax
import jax.numpy as jnp
from jax import lax
from jax.experimental import pallas as pl
from jax.experimental.pallas import tpu as pltpu
from jax.experimental.pallas import tpu_sc as plsc

NC = 2
NS = 16
NW = NC * NS
LANES = 16
CH = 128
NBUF = 4


@functools.partial(jax.jit, static_argnames=("n_chunks", "d"))
def _embed_sum(x3, W0, W1, n_chunks, d):
    total = NW * n_chunks * CH
    n_groups = n_chunks // NBUF
    mesh = plsc.VectorSubcoreMesh(
        core_axis_name="c", subcore_axis_name="s",
        num_cores=NC, num_subcores=NS)

    @functools.partial(
        pl.kernel,
        mesh=mesh,
        compiler_params=pltpu.CompilerParams(use_tc_tiling_on_sc=False),
        out_type=jax.ShapeDtypeStruct((total, d), jnp.float32),
        scratch_types=[
            pltpu.VMEM((n_chunks, CH), jnp.int32),
            pltpu.VMEM((NBUF, CH, d), jnp.float32),
            pltpu.VMEM((NBUF, CH, d), jnp.float32),
            pltpu.VMEM((NBUF, CH, d), jnp.float32),
            pltpu.SemaphoreType.DMA((NBUF,)),
            pltpu.SemaphoreType.DMA((NBUF,)),
        ],
    )
    def body(x_hbm, w0_hbm, w1_hbm, out_hbm, idx_v, r0, r1, o, semg, semo):
        wid = lax.axis_index("s") * NC + lax.axis_index("c")
        pltpu.sync_copy(x_hbm.at[wid], idx_v)
        out_base = wid * n_chunks * CH

        for b in range(NBUF):
            pltpu.async_copy(w0_hbm.at[idx_v.at[b]], r0.at[b], semg.at[b])
            pltpu.async_copy(w1_hbm.at[idx_v.at[b]], r1.at[b], semg.at[b])

        def group_body(g, carry):
            for b in range(NBUF):
                i = g * NBUF + b
                pltpu.make_async_copy(
                    w0_hbm.at[idx_v.at[i]], r0.at[b], semg.at[b]).wait()
                pltpu.make_async_copy(
                    w0_hbm.at[idx_v.at[i]], r1.at[b], semg.at[b]).wait()

                @pl.when(g > 0)
                def _():
                    pltpu.make_async_copy(
                        o.at[b], out_hbm.at[pl.ds(0, CH)], semo.at[b]).wait()

                def addloop(j, c2):
                    o[b, j, pl.ds(0, LANES)] = (
                        r0[b, j, pl.ds(0, LANES)] + r1[b, j, pl.ds(0, LANES)])
                    o[b, j, pl.ds(LANES, LANES)] = (
                        r0[b, j, pl.ds(LANES, LANES)]
                        + r1[b, j, pl.ds(LANES, LANES)])
                    return c2

                lax.fori_loop(0, CH, addloop, 0)

                @pl.when(i + NBUF < n_chunks)
                def _():
                    pltpu.async_copy(
                        w0_hbm.at[idx_v.at[i + NBUF]], r0.at[b], semg.at[b])
                    pltpu.async_copy(
                        w1_hbm.at[idx_v.at[i + NBUF]], r1.at[b], semg.at[b])

                pltpu.async_copy(
                    o.at[b], out_hbm.at[pl.ds(out_base + i * CH, CH)],
                    semo.at[b])
            return carry

        lax.fori_loop(0, n_groups, group_body, 0)

        for b in range(NBUF):
            pltpu.make_async_copy(
                o.at[b], out_hbm.at[pl.ds(0, CH)], semo.at[b]).wait()

    return body(x3, W0, W1)


def kernel(x, W0, W1):
    b, f = x.shape
    d = W0.shape[1]
    total = b * f
    assert total % (NW * CH * NBUF) == 0
    n_chunks = total // (NW * CH)
    x3 = x.reshape(NW, n_chunks, CH)
    out = _embed_sum(x3, W0, W1, n_chunks, d)
    return out.reshape(b, f, d)

# --- scband reference (transcript-rebuilt; emitter-appended) ---
"""Pipeline reference for scband-embedding-list-63660005261949 (READ-ONLY COPY).

The authoritative reference and input builder live on the scoring server;
editing this copy changes nothing except your own understanding.
"""

import jax, jax.numpy as jnp
import numpy as np

VOCAB = 1000000
EMBED_DIM = 32
BATCH = 16384
FIELDS = 26


def setup_inputs(seed: int = 0) -> dict:
    key = jax.random.key(seed)
    k1, k2, k3 = jax.random.split(key, 3)
    x = jax.random.randint(k1, (BATCH, FIELDS), 0, VOCAB, dtype=jnp.int32)
    W0 = jax.random.normal(k2, (VOCAB, EMBED_DIM), dtype=jnp.float32) * 0.02
    W1 = jax.random.normal(k3, (VOCAB, EMBED_DIM), dtype=jnp.float32) * 0.02
    return {"x": x, "W0": W0, "W1": W1}


def reference(x, W0, W1):
    # EmbeddingList.forward: out = sum_i embedding_i(x)
    out = jnp.take(W0, x, axis=0)
    out = out + jnp.take(W1, x, axis=0)
    return out

if __name__ == "__main__":
    import jax
    _d = setup_inputs()
    print(jax.jit(kernel)(*tuple(_d.values())))

</pallas_src>

<mosaic_0001>
#map = affine_map<(d0, d1) -> (0, 0, 0)>
#map1 = affine_map<(d0, d1) -> (0, 0)>
module attributes {stable_mosaic.version = 14 : i64} {
  func.func @body(%arg0: i32, %arg1: i32, %arg2: memref<32x104x128xi32, #tpu.memory_space<hbm>>, %arg3: memref<1000000x32xf32, #tpu.memory_space<hbm>>, %arg4: memref<1000000x32xf32, #tpu.memory_space<hbm>>, %arg5: memref<425984x32xf32, #tpu.memory_space<hbm>>, %arg6: memref<104x128xi32, #tpu.memory_space<vmem>>, %arg7: memref<4x128x32xf32, #tpu.memory_space<vmem>>, %arg8: memref<4x128x32xf32, #tpu.memory_space<vmem>>, %arg9: memref<4x128x32xf32, #tpu.memory_space<vmem>>, %arg10: memref<4x!tpu.dma_semaphore, #tpu.memory_space<semaphore_mem>>, %arg11: memref<4x!tpu.dma_semaphore, #tpu.memory_space<semaphore_mem>>) attributes {dimension_semantics = [#tpu.dimension_semantics<core_parallel>, #tpu.dimension_semantics<subcore_parallel>], iteration_bounds = array<i64: 2, 16>, scalar_prefetch = 0 : i64, scratch_operands = 6 : i64, tpu.core_type = #tpu.core_type<sc_vector_subcore>, window_params = [{transform_indices = #map}, {transform_indices = #map1}, {transform_indices = #map1}, {transform_indices = #map1}]} {
    %mul3A = arith.constant 2 : i32
    %mul3A_0 = arith.muli %arg1, %mul3A : i32
    %add3A = arith.addi %mul3A_0, %arg0 : i32
    "tpu.region"() ({
      %run_scoped3A = tpu.sem_alloc : memref<!tpu.dma_semaphore, #tpu.memory_space<semaphore_mem>>
      %dma_start3A_200 = arith.constant 0 : i32
      %dma_start3A_201 = arith.constant 0 : i32
      %dma_start3A_202 = tpu.memref_slice %arg2[%add3A, %dma_start3A_200, %dma_start3A_201] : memref<32x104x128xi32, #tpu.memory_space<hbm>> -> memref<1x104x128xi32, #tpu.memory_space<hbm>>
      %dma_start3A_203 = tpu.memref_squeeze %dma_start3A_202 : memref<1x104x128xi32, #tpu.memory_space<hbm>> -> memref<104x128xi32, #tpu.memory_space<hbm>>
      %dma_start3A_204 = arith.constant 0 : i32
      %dma_start3A_205 = arith.constant 0 : i32
      %dma_start3A_206 = tpu.memref_slice %arg2[%add3A, %dma_start3A_204, %dma_start3A_205] : memref<32x104x128xi32, #tpu.memory_space<hbm>> -> memref<1x104x128xi32, #tpu.memory_space<hbm>>
      %dma_start3A_207 = tpu.memref_squeeze %dma_start3A_206 : memref<1x104x128xi32, #tpu.memory_space<hbm>> -> memref<104x128xi32, #tpu.memory_space<hbm>>
      tpu.enqueue_dma source(%dma_start3A_207 : memref<104x128xi32, #tpu.memory_space<hbm>>) target(%arg6 : memref<104x128xi32, #tpu.memory_space<vmem>>) target_semaphore(%run_scoped3A : memref<!tpu.dma_semaphore, #tpu.memory_space<semaphore_mem>>)
      %dma_wait3A_208 = arith.constant 0 : i32
      %dma_wait3A_209 = arith.constant 0 : i32
      %dma_wait3A_210 = tpu.memref_slice %arg2[%add3A, %dma_wait3A_208, %dma_wait3A_209] : memref<32x104x128xi32, #tpu.memory_space<hbm>> -> memref<1x104x128xi32, #tpu.memory_space<hbm>>
      %dma_wait3A_211 = tpu.memref_squeeze %dma_wait3A_210 : memref<1x104x128xi32, #tpu.memory_space<hbm>> -> memref<104x128xi32, #tpu.memory_space<hbm>>
      %dma_wait3A_212 = arith.constant 0 : i32
      %dma_wait3A_213 = arith.constant 0 : i32
      %dma_wait3A_214 = tpu.memref_slice %arg2[%add3A, %dma_wait3A_212, %dma_wait3A_213] : memref<32x104x128xi32, #tpu.memory_space<hbm>> -> memref<1x104x128xi32, #tpu.memory_space<hbm>>
      %dma_wait3A_215 = tpu.memref_squeeze %dma_wait3A_214 : memref<1x104x128xi32, #tpu.memory_space<hbm>> -> memref<104x128xi32, #tpu.memory_space<hbm>>
      tpu.wait_dma2 semaphore(%run_scoped3A : memref<!tpu.dma_semaphore, #tpu.memory_space<semaphore_mem>>) src(%dma_wait3A_215 : memref<104x128xi32, #tpu.memory_space<hbm>>) dst(%arg6 : memref<104x128xi32, #tpu.memory_space<vmem>>)
      tpu.yield
    }) : () -> ()
    %mul3A_1 = arith.constant 104 : i32
    %mul3A_2 = arith.muli %add3A, %mul3A_1 : i32
    %mul3A_3 = arith.constant 128 : i32
    %mul3A_4 = arith.muli %mul3A_2, %mul3A_3 : i32
    %dma_start3A = arith.constant 0 : i32
    %dma_start3A_5 = arith.constant 0 : i32
    %dma_start3A_6 = arith.constant 0 : i32
    %dma_start3A_7 = arith.constant 0 : i32
    %dma_start3A_8 = arith.constant 0 : i32
    %dma_start3A_9 = tpu.memref_slice %arg7[%dma_start3A_5, %dma_start3A_7, %dma_start3A_8] : memref<4x128x32xf32, #tpu.memory_space<vmem>> -> memref<1x128x32xf32, #tpu.memory_space<vmem>>
    %dma_start3A_10 = tpu.memref_squeeze %dma_start3A_9 : memref<1x128x32xf32, #tpu.memory_space<vmem>> -> memref<128x32xf32, #tpu.memory_space<vmem>>
    %dma_start3A_11 = arith.constant 0 : i32
    %dma_start3A_12 = tpu.memref_slice %arg6[%dma_start3A, %dma_start3A_11] : memref<104x128xi32, #tpu.memory_space<vmem>> -> memref<1x128xi32, #tpu.memory_space<vmem>>
    %dma_start3A_13 = tpu.memref_squeeze %dma_start3A_12 : memref<1x128xi32, #tpu.memory_space<vmem>> -> memref<128xi32, #tpu.memory_space<vmem>>
    %dma_start3A_14 = arith.constant 0 : i32
    %dma_start3A_15 = arith.constant 0 : i32
    %dma_start3A_16 = tpu.memref_slice %arg3[%dma_start3A_14, %dma_start3A_15] : memref<1000000x32xf32, #tpu.memory_space<hbm>> -> memref<1000000x32xf32, #tpu.memory_space<hbm>>
    %dma_start3A_17 = tpu.memref_slice %arg10[%dma_start3A_6] : memref<4x!tpu.dma_semaphore, #tpu.memory_space<semaphore_mem>> -> memref<1x!tpu.dma_semaphore, #tpu.memory_space<semaphore_mem>>
    %dma_start3A_18 = tpu.memref_squeeze %dma_start3A_17 : memref<1x!tpu.dma_semaphore, #tpu.memory_space<semaphore_mem>> -> memref<!tpu.dma_semaphore, #tpu.memory_space<semaphore_mem>>
    tpu.enqueue_indirect_dma source(%dma_start3A_16 : memref<1000000x32xf32, #tpu.memory_space<hbm>>) target(%dma_start3A_10 : memref<128x32xf32, #tpu.memory_space<vmem>>) offsets(%dma_start3A_13 : memref<128xi32, #tpu.memory_space<vmem>>) semaphore(%dma_start3A_18 : memref<!tpu.dma_semaphore, #tpu.memory_space<semaphore_mem>>)
    %dma_start3A_19 = arith.constant 0 : i32
    %dma_start3A_20 = arith.constant 0 : i32
    %dma_start3A_21 = arith.constant 0 : i32
    %dma_start3A_22 = arith.constant 0 : i32
    %dma_start3A_23 = arith.constant 0 : i32
    %dma_start3A_24 = tpu.memref_slice %arg8[%dma_start3A_20, %dma_start3A_22, %dma_start3A_23] : memref<4x128x32xf32, #tpu.memory_space<vmem>> -> memref<1x128x32xf32, #tpu.memory_space<vmem>>
    %dma_start3A_25 = tpu.memref_squeeze %dma_start3A_24 : memref<1x128x32xf32, #tpu.memory_space<vmem>> -> memref<128x32xf32, #tpu.memory_space<vmem>>
    %dma_start3A_26 = arith.constant 0 : i32
    %dma_start3A_27 = tpu.memref_slice %arg6[%dma_start3A_19, %dma_start3A_26] : memref<104x128xi32, #tpu.memory_space<vmem>> -> memref<1x128xi32, #tpu.memory_space<vmem>>
    %dma_start3A_28 = tpu.memref_squeeze %dma_start3A_27 : memref<1x128xi32, #tpu.memory_space<vmem>> -> memref<128xi32, #tpu.memory_space<vmem>>
    %dma_start3A_29 = arith.constant 0 : i32
    %dma_start3A_30 = arith.constant 0 : i32
    %dma_start3A_31 = tpu.memref_slice %arg4[%dma_start3A_29, %dma_start3A_30] : memref<1000000x32xf32, #tpu.memory_space<hbm>> -> memref<1000000x32xf32, #tpu.memory_space<hbm>>
    %dma_start3A_32 = tpu.memref_slice %arg10[%dma_start3A_21] : memref<4x!tpu.dma_semaphore, #tpu.memory_space<semaphore_mem>> -> memref<1x!tpu.dma_semaphore, #tpu.memory_space<semaphore_mem>>
    %dma_start3A_33 = tpu.memref_squeeze %dma_start3A_32 : memref<1x!tpu.dma_semaphore, #tpu.memory_space<semaphore_mem>> -> memref<!tpu.dma_semaphore, #tpu.memory_space<semaphore_mem>>
    tpu.enqueue_indirect_dma source(%dma_start3A_31 : memref<1000000x32xf32, #tpu.memory_space<hbm>>) target(%dma_start3A_25 : memref<128x32xf32, #tpu.memory_space<vmem>>) offsets(%dma_start3A_28 : memref<128xi32, #tpu.memory_space<vmem>>) semaphore(%dma_start3A_33 : memref<!tpu.dma_semaphore, #tpu.memory_space<semaphore_mem>>)
    %dma_start3A_34 = arith.constant 1 : i32
    %dma_start3A_35 = arith.constant 1 : i32
    %dma_start3A_36 = arith.constant 1 : i32
    %dma_start3A_37 = arith.constant 0 : i32
    %dma_start3A_38 = arith.constant 0 : i32
    %dma_start3A_39 = tpu.memref_slice %arg7[%dma_start3A_35, %dma_start3A_37, %dma_start3A_38] : memref<4x128x32xf32, #tpu.memory_space<vmem>> -> memref<1x128x32xf32, #tpu.memory_space<vmem>>
    %dma_start3A_40 = tpu.memref_squeeze %dma_start3A_39 : memref<1x128x32xf32, #tpu.memory_space<vmem>> -> memref<128x32xf32, #tpu.memory_space<vmem>>
    %dma_start3A_41 = arith.constant 0 : i32
    %dma_start3A_42 = tpu.memref_slice %arg6[%dma_start3A_34, %dma_start3A_41] : memref<104x128xi32, #tpu.memory_space<vmem>> -> memref<1x128xi32, #tpu.memory_space<vmem>>
    %dma_start3A_43 = tpu.memref_squeeze %dma_start3A_42 : memref<1x128xi32, #tpu.memory_space<vmem>> -> memref<128xi32, #tpu.memory_space<vmem>>
    %dma_start3A_44 = arith.constant 0 : i32
    %dma_start3A_45 = arith.constant 0 : i32
    %dma_start3A_46 = tpu.memref_slice %arg3[%dma_start3A_44, %dma_start3A_45] : memref<1000000x32xf32, #tpu.memory_space<hbm>> -> memref<1000000x32xf32, #tpu.memory_space<hbm>>
    %dma_start3A_47 = tpu.memref_slice %arg10[%dma_start3A_36] : memref<4x!tpu.dma_semaphore, #tpu.memory_space<semaphore_mem>> -> memref<1x!tpu.dma_semaphore, #tpu.memory_space<semaphore_mem>>
    %dma_start3A_48 = tpu.memref_squeeze %dma_start3A_47 : memref<1x!tpu.dma_semaphore, #tpu.memory_space<semaphore_mem>> -> memref<!tpu.dma_semaphore, #tpu.memory_space<semaphore_mem>>
    tpu.enqueue_indirect_dma source(%dma_start3A_46 : memref<1000000x32xf32, #tpu.memory_space<hbm>>) target(%dma_start3A_40 : memref<128x32xf32, #tpu.memory_space<vmem>>) offsets(%dma_start3A_43 : memref<128xi32, #tpu.memory_space<vmem>>) semaphore(%dma_start3A_48 : memref<!tpu.dma_semaphore, #tpu.memory_space<semaphore_mem>>)
    %dma_start3A_49 = arith.constant 1 : i32
    %dma_start3A_50 = arith.constant 1 : i32
    %dma_start3A_51 = arith.constant 1 : i32
    %dma_start3A_52 = arith.constant 0 : i32
    %dma_start3A_53 = arith.constant 0 : i32
    %dma_start3A_54 = tpu.memref_slice %arg8[%dma_start3A_50, %dma_start3A_52, %dma_start3A_53] : memref<4x128x32xf32, #tpu.memory_space<vmem>> -> memref<1x128x32xf32, #tpu.memory_space<vmem>>
    %dma_start3A_55 = tpu.memref_squeeze %dma_start3A_54 : memref<1x128x32xf32, #tpu.memory_space<vmem>> -> memref<128x32xf32, #tpu.memory_space<vmem>>
    %dma_start3A_56 = arith.constant 0 : i32
    %dma_start3A_57 = tpu.memref_slice %arg6[%dma_start3A_49, %dma_start3A_56] : memref<104x128xi32, #tpu.memory_space<vmem>> -> memref<1x128xi32, #tpu.memory_space<vmem>>
    %dma_start3A_58 = tpu.memref_squeeze %dma_start3A_57 : memref<1x128xi32, #tpu.memory_space<vmem>> -> memref<128xi32, #tpu.memory_space<vmem>>
    %dma_start3A_59 = arith.constant 0 : i32
    %dma_start3A_60 = arith.constant 0 : i32
    %dma_start3A_61 = tpu.memref_slice %arg4[%dma_start3A_59, %dma_start3A_60] : memref<1000000x32xf32, #tpu.memory_space<hbm>> -> memref<1000000x32xf32, #tpu.memory_space<hbm>>
    %dma_start3A_62 = tpu.memref_slice %arg10[%dma_start3A_51] : memref<4x!tpu.dma_semaphore, #tpu.memory_space<semaphore_mem>> -> memref<1x!tpu.dma_semaphore, #tpu.memory_space<semaphore_mem>>
    %dma_start3A_63 = tpu.memref_squeeze %dma_start3A_62 : memref<1x!tpu.dma_semaphore, #tpu.memory_space<semaphore_mem>> -> memref<!tpu.dma_semaphore, #tpu.memory_space<semaphore_mem>>
    tpu.enqueue_indirect_dma source(%dma_start3A_61 : memref<1000000x32xf32, #tpu.memory_space<hbm>>) target(%dma_start3A_55 : memref<128x32xf32, #tpu.memory_space<vmem>>) offsets(%dma_start3A_58 : memref<128xi32, #tpu.memory_space<vmem>>) semaphore(%dma_start3A_63 : memref<!tpu.dma_semaphore, #tpu.memory_space<semaphore_mem>>)
    %dma_start3A_64 = arith.constant 2 : i32
    %dma_start3A_65 = arith.constant 2 : i32
    %dma_start3A_66 = arith.constant 2 : i32
    %dma_start3A_67 = arith.constant 0 : i32
    %dma_start3A_68 = arith.constant 0 : i32
    %dma_start3A_69 = tpu.memref_slice %arg7[%dma_start3A_65, %dma_start3A_67, %dma_start3A_68] : memref<4x128x32xf32, #tpu.memory_space<vmem>> -> memref<1x128x32xf32, #tpu.memory_space<vmem>>
    %dma_start3A_70 = tpu.memref_squeeze %dma_start3A_69 : memref<1x128x32xf32, #tpu.memory_space<vmem>> -> memref<128x32xf32, #tpu.memory_space<vmem>>
    %dma_start3A_71 = arith.constant 0 : i32
    %dma_start3A_72 = tpu.memref_slice %arg6[%dma_start3A_64, %dma_start3A_71] : memref<104x128xi32, #tpu.memory_space<vmem>> -> memref<1x128xi32, #tpu.memory_space<vmem>>
    %dma_start3A_73 = tpu.memref_squeeze %dma_start3A_72 : memref<1x128xi32, #tpu.memory_space<vmem>> -> memref<128xi32, #tpu.memory_space<vmem>>
    %dma_start3A_74 = arith.constant 0 : i32
    %dma_start3A_75 = arith.constant 0 : i32
    %dma_start3A_76 = tpu.memref_slice %arg3[%dma_start3A_74, %dma_start3A_75] : memref<1000000x32xf32, #tpu.memory_space<hbm>> -> memref<1000000x32xf32, #tpu.memory_space<hbm>>
    %dma_start3A_77 = tpu.memref_slice %arg10[%dma_start3A_66] : memref<4x!tpu.dma_semaphore, #tpu.memory_space<semaphore_mem>> -> memref<1x!tpu.dma_semaphore, #tpu.memory_space<semaphore_mem>>
    %dma_start3A_78 = tpu.memref_squeeze %dma_start3A_77 : memref<1x!tpu.dma_semaphore, #tpu.memory_space<semaphore_mem>> -> memref<!tpu.dma_semaphore, #tpu.memory_space<semaphore_mem>>
    tpu.enqueue_indirect_dma source(%dma_start3A_76 : memref<1000000x32xf32, #tpu.memory_space<hbm>>) target(%dma_start3A_70 : memref<128x32xf32, #tpu.memory_space<vmem>>) offsets(%dma_start3A_73 : memref<128xi32, #tpu.memory_space<vmem>>) semaphore(%dma_start3A_78 : memref<!tpu.dma_semaphore, #tpu.memory_space<semaphore_mem>>)
    %dma_start3A_79 = arith.constant 2 : i32
    %dma_start3A_80 = arith.constant 2 : i32
    %dma_start3A_81 = arith.constant 2 : i32
    %dma_start3A_82 = arith.constant 0 : i32
    %dma_start3A_83 = arith.constant 0 : i32
    %dma_start3A_84 = tpu.memref_slice %arg8[%dma_start3A_80, %dma_start3A_82, %dma_start3A_83] : memref<4x128x32xf32, #tpu.memory_space<vmem>> -> memref<1x128x32xf32, #tpu.memory_space<vmem>>
    %dma_start3A_85 = tpu.memref_squeeze %dma_start3A_84 : memref<1x128x32xf32, #tpu.memory_space<vmem>> -> memref<128x32xf32, #tpu.memory_space<vmem>>
    %dma_start3A_86 = arith.constant 0 : i32
    %dma_start3A_87 = tpu.memref_slice %arg6[%dma_start3A_79, %dma_start3A_86] : memref<104x128xi32, #tpu.memory_space<vmem>> -> memref<1x128xi32, #tpu.memory_space<vmem>>
    %dma_start3A_88 = tpu.memref_squeeze %dma_start3A_87 : memref<1x128xi32, #tpu.memory_space<vmem>> -> memref<128xi32, #tpu.memory_space<vmem>>
    %dma_start3A_89 = arith.constant 0 : i32
    %dma_start3A_90 = arith.constant 0 : i32
    %dma_start3A_91 = tpu.memref_slice %arg4[%dma_start3A_89, %dma_start3A_90] : memref<1000000x32xf32, #tpu.memory_space<hbm>> -> memref<1000000x32xf32, #tpu.memory_space<hbm>>
    %dma_start3A_92 = tpu.memref_slice %arg10[%dma_start3A_81] : memref<4x!tpu.dma_semaphore, #tpu.memory_space<semaphore_mem>> -> memref<1x!tpu.dma_semaphore, #tpu.memory_space<semaphore_mem>>
    %dma_start3A_93 = tpu.memref_squeeze %dma_start3A_92 : memref<1x!tpu.dma_semaphore, #tpu.memory_space<semaphore_mem>> -> memref<!tpu.dma_semaphore, #tpu.memory_space<semaphore_mem>>
    tpu.enqueue_indirect_dma source(%dma_start3A_91 : memref<1000000x32xf32, #tpu.memory_space<hbm>>) target(%dma_start3A_85 : memref<128x32xf32, #tpu.memory_space<vmem>>) offsets(%dma_start3A_88 : memref<128xi32, #tpu.memory_space<vmem>>) semaphore(%dma_start3A_93 : memref<!tpu.dma_semaphore, #tpu.memory_space<semaphore_mem>>)
    %dma_start3A_94 = arith.constant 3 : i32
    %dma_start3A_95 = arith.constant 3 : i32
    %dma_start3A_96 = arith.constant 3 : i32
    %dma_start3A_97 = arith.constant 0 : i32
    %dma_start3A_98 = arith.constant 0 : i32
    %dma_start3A_99 = tpu.memref_slice %arg7[%dma_start3A_95, %dma_start3A_97, %dma_start3A_98] : memref<4x128x32xf32, #tpu.memory_space<vmem>> -> memref<1x128x32xf32, #tpu.memory_space<vmem>>
    %dma_start3A_100 = tpu.memref_squeeze %dma_start3A_99 : memref<1x128x32xf32, #tpu.memory_space<vmem>> -> memref<128x32xf32, #tpu.memory_space<vmem>>
    %dma_start3A_101 = arith.constant 0 : i32
    %dma_start3A_102 = tpu.memref_slice %arg6[%dma_start3A_94, %dma_start3A_101] : memref<104x128xi32, #tpu.memory_space<vmem>> -> memref<1x128xi32, #tpu.memory_space<vmem>>
    %dma_start3A_103 = tpu.memref_squeeze %dma_start3A_102 : memref<1x128xi32, #tpu.memory_space<vmem>> -> memref<128xi32, #tpu.memory_space<vmem>>
    %dma_start3A_104 = arith.constant 0 : i32
    %dma_start3A_105 = arith.constant 0 : i32
    %dma_start3A_106 = tpu.memref_slice %arg3[%dma_start3A_104, %dma_start3A_105] : memref<1000000x32xf32, #tpu.memory_space<hbm>> -> memref<1000000x32xf32, #tpu.memory_space<hbm>>
    %dma_start3A_107 = tpu.memref_slice %arg10[%dma_start3A_96] : memref<4x!tpu.dma_semaphore, #tpu.memory_space<semaphore_mem>> -> memref<1x!tpu.dma_semaphore, #tpu.memory_space<semaphore_mem>>
    %dma_start3A_108 = tpu.memref_squeeze %dma_start3A_107 : memref<1x!tpu.dma_semaphore, #tpu.memory_space<semaphore_mem>> -> memref<!tpu.dma_semaphore, #tpu.memory_space<semaphore_mem>>
    tpu.enqueue_indirect_dma source(%dma_start3A_106 : memref<1000000x32xf32, #tpu.memory_space<hbm>>) target(%dma_start3A_100 : memref<128x32xf32, #tpu.memory_space<vmem>>) offsets(%dma_start3A_103 : memref<128xi32, #tpu.memory_space<vmem>>) semaphore(%dma_start3A_108 : memref<!tpu.dma_semaphore, #tpu.memory_space<semaphore_mem>>)
    %dma_start3A_109 = arith.constant 3 : i32
    %dma_start3A_110 = arith.constant 3 : i32
    %dma_start3A_111 = arith.constant 3 : i32
    %dma_start3A_112 = arith.constant 0 : i32
    %dma_start3A_113 = arith.constant 0 : i32
    %dma_start3A_114 = tpu.memref_slice %arg8[%dma_start3A_110, %dma_start3A_112, %dma_start3A_113] : memref<4x128x32xf32, #tpu.memory_space<vmem>> -> memref<1x128x32xf32, #tpu.memory_space<vmem>>
    %dma_start3A_115 = tpu.memref_squeeze %dma_start3A_114 : memref<1x128x32xf32, #tpu.memory_space<vmem>> -> memref<128x32xf32, #tpu.memory_space<vmem>>
    %dma_start3A_116 = arith.constant 0 : i32
    %dma_start3A_117 = tpu.memref_slice %arg6[%dma_start3A_109, %dma_start3A_116] : memref<104x128xi32, #tpu.memory_space<vmem>> -> memref<1x128xi32, #tpu.memory_space<vmem>>
    %dma_start3A_118 = tpu.memref_squeeze %dma_start3A_117 : memref<1x128xi32, #tpu.memory_space<vmem>> -> memref<128xi32, #tpu.memory_space<vmem>>
    %dma_start3A_119 = arith.constant 0 : i32
    %dma_start3A_120 = arith.constant 0 : i32
    %dma_start3A_121 = tpu.memref_slice %arg4[%dma_start3A_119, %dma_start3A_120] : memref<1000000x32xf32, #tpu.memory_space<hbm>> -> memref<1000000x32xf32, #tpu.memory_space<hbm>>
    %dma_start3A_122 = tpu.memref_slice %arg10[%dma_start3A_111] : memref<4x!tpu.dma_semaphore, #tpu.memory_space<semaphore_mem>> -> memref<1x!tpu.dma_semaphore, #tpu.memory_space<semaphore_mem>>
    %dma_start3A_123 = tpu.memref_squeeze %dma_start3A_122 : memref<1x!tpu.dma_semaphore, #tpu.memory_space<semaphore_mem>> -> memref<!tpu.dma_semaphore, #tpu.memory_space<semaphore_mem>>
    tpu.enqueue_indirect_dma source(%dma_start3A_121 : memref<1000000x32xf32, #tpu.memory_space<hbm>>) target(%dma_start3A_115 : memref<128x32xf32, #tpu.memory_space<vmem>>) offsets(%dma_start3A_118 : memref<128xi32, #tpu.memory_space<vmem>>) semaphore(%dma_start3A_123 : memref<!tpu.dma_semaphore, #tpu.memory_space<semaphore_mem>>)
    %scan3A = arith.constant 0 : i32
    %scan3A_124 = arith.constant 0 : i32
    %scan3A_125 = arith.constant 26 : i32
    %scan3A_126 = arith.addi %scan3A_124, %scan3A_125 : i32
    %scan3A_127 = arith.constant 1 : i32
    scf.for %scan3A_200 = %scan3A_124 to %scan3A_126 step %scan3A_127  : i32 {
      %mul3A_201 = arith.constant 4 : i32
      %mul3A_202 = arith.muli %scan3A_200, %mul3A_201 : i32
      %add3A_203 = arith.constant 0 : i32
      %add3A_204 = arith.addi %mul3A_202, %add3A_203 : i32
      %dma_wait3A_205 = arith.constant 0 : i32
      %dma_wait3A_206 = arith.constant 0 : i32
      %dma_wait3A_207 = arith.constant 0 : i32
      %dma_wait3A_208 = arith.constant 0 : i32
      %dma_wait3A_209 = tpu.memref_slice %arg7[%dma_wait3A_205, %dma_wait3A_207, %dma_wait3A_208] : memref<4x128x32xf32, #tpu.memory_space<vmem>> -> memref<1x128x32xf32, #tpu.memory_space<vmem>>
      %dma_wait3A_210 = tpu.memref_squeeze %dma_wait3A_209 : memref<1x128x32xf32, #tpu.memory_space<vmem>> -> memref<128x32xf32, #tpu.memory_space<vmem>>
      %dma_wait3A_211 = arith.constant 0 : i32
      %dma_wait3A_212 = tpu.memref_slice %arg6[%add3A_204, %dma_wait3A_211] : memref<104x128xi32, #tpu.memory_space<vmem>> -> memref<1x128xi32, #tpu.memory_space<vmem>>
      %dma_wait3A_213 = tpu.memref_squeeze %dma_wait3A_212 : memref<1x128xi32, #tpu.memory_space<vmem>> -> memref<128xi32, #tpu.memory_space<vmem>>
      %dma_wait3A_214 = arith.constant 0 : i32
      %dma_wait3A_215 = arith.constant 0 : i32
      %dma_wait3A_216 = tpu.memref_slice %arg3[%dma_wait3A_214, %dma_wait3A_215] : memref<1000000x32xf32, #tpu.memory_space<hbm>> -> memref<1000000x32xf32, #tpu.memory_space<hbm>>
      %dma_wait3A_217 = tpu.memref_slice %arg10[%dma_wait3A_206] : memref<4x!tpu.dma_semaphore, #tpu.memory_space<semaphore_mem>> -> memref<1x!tpu.dma_semaphore, #tpu.memory_space<semaphore_mem>>
      %dma_wait3A_218 = tpu.memref_squeeze %dma_wait3A_217 : memref<1x!tpu.dma_semaphore, #tpu.memory_space<semaphore_mem>> -> memref<!tpu.dma_semaphore, #tpu.memory_space<semaphore_mem>>
      tpu.wait_indirect_dma semaphore(%dma_wait3A_218 : memref<!tpu.dma_semaphore, #tpu.memory_space<semaphore_mem>>) src(%dma_wait3A_216 : memref<1000000x32xf32, #tpu.memory_space<hbm>>) dst(%dma_wait3A_210 : memref<128x32xf32, #tpu.memory_space<vmem>>)
      %dma_wait3A_219 = arith.constant 0 : i32
      %dma_wait3A_220 = arith.constant 0 : i32
      %dma_wait3A_221 = arith.constant 0 : i32
      %dma_wait3A_222 = arith.constant 0 : i32
      %dma_wait3A_223 = tpu.memref_slice %arg8[%dma_wait3A_219, %dma_wait3A_221, %dma_wait3A_222] : memref<4x128x32xf32, #tpu.memory_space<vmem>> -> memref<1x128x32xf32, #tpu.memory_space<vmem>>
      %dma_wait3A_224 = tpu.memref_squeeze %dma_wait3A_223 : memref<1x128x32xf32, #tpu.memory_space<vmem>> -> memref<128x32xf32, #tpu.memory_space<vmem>>
      %dma_wait3A_225 = arith.constant 0 : i32
      %dma_wait3A_226 = tpu.memref_slice %arg6[%add3A_204, %dma_wait3A_225] : memref<104x128xi32, #tpu.memory_space<vmem>> -> memref<1x128xi32, #tpu.memory_space<vmem>>
      %dma_wait3A_227 = tpu.memref_squeeze %dma_wait3A_226 : memref<1x128xi32, #tpu.memory_space<vmem>> -> memref<128xi32, #tpu.memory_space<vmem>>
      %dma_wait3A_228 = arith.constant 0 : i32
      %dma_wait3A_229 = arith.constant 0 : i32
      %dma_wait3A_230 = tpu.memref_slice %arg3[%dma_wait3A_228, %dma_wait3A_229] : memref<1000000x32xf32, #tpu.memory_space<hbm>> -> memref<1000000x32xf32, #tpu.memory_space<hbm>>
      %dma_wait3A_231 = tpu.memref_slice %arg10[%dma_wait3A_220] : memref<4x!tpu.dma_semaphore, #tpu.memory_space<semaphore_mem>> -> memref<1x!tpu.dma_semaphore, #tpu.memory_space<semaphore_mem>>
      %dma_wait3A_232 = tpu.memref_squeeze %dma_wait3A_231 : memref<1x!tpu.dma_semaphore, #tpu.memory_space<semaphore_mem>> -> memref<!tpu.dma_semaphore, #tpu.memory_space<semaphore_mem>>
      tpu.wait_indirect_dma semaphore(%dma_wait3A_232 : memref<!tpu.dma_semaphore, #tpu.memory_space<semaphore_mem>>) src(%dma_wait3A_230 : memref<1000000x32xf32, #tpu.memory_space<hbm>>) dst(%dma_wait3A_224 : memref<128x32xf32, #tpu.memory_space<vmem>>)
      %gt3A = arith.constant 0 : i32
      %gt3A_233 = arith.cmpi sgt, %scan3A_200, %gt3A : i32
      %convert_element_type3A = arith.extui %gt3A_233 : i1 to i32
      %cond3A = arith.constant 0 : i32
      %cond3A_234 = arith.cmpi ne, %convert_element_type3A, %cond3A : i32
      scf.if %cond3A_234 {
        %dma_wait3A_473 = arith.constant 0 : i32
        %dma_wait3A_474 = arith.constant 0 : i32
        %dma_wait3A_475 = arith.constant 0 : i32
        %dma_wait3A_476 = arith.constant 0 : i32
        %dma_wait3A_477 = tpu.memref_slice %arg9[%dma_wait3A_473, %dma_wait3A_475, %dma_wait3A_476] : memref<4x128x32xf32, #tpu.memory_space<vmem>> -> memref<1x128x32xf32, #tpu.memory_space<vmem>>
        %dma_wait3A_478 = tpu.memref_squeeze %dma_wait3A_477 : memref<1x128x32xf32, #tpu.memory_space<vmem>> -> memref<128x32xf32, #tpu.memory_space<vmem>>
        %dma_wait3A_479 = arith.constant 0 : i32
        %dma_wait3A_480 = arith.constant 0 : i32
        %dma_wait3A_481 = tpu.memref_slice %arg5[%dma_wait3A_479, %dma_wait3A_480] : memref<425984x32xf32, #tpu.memory_space<hbm>> -> memref<128x32xf32, #tpu.memory_space<hbm>>
        %dma_wait3A_482 = tpu.memref_slice %arg11[%dma_wait3A_474] : memref<4x!tpu.dma_semaphore, #tpu.memory_space<semaphore_mem>> -> memref<1x!tpu.dma_semaphore, #tpu.memory_space<semaphore_mem>>
        %dma_wait3A_483 = tpu.memref_squeeze %dma_wait3A_482 : memref<1x!tpu.dma_semaphore, #tpu.memory_space<semaphore_mem>> -> memref<!tpu.dma_semaphore, #tpu.memory_space<semaphore_mem>>
        %dma_wait3A_484 = arith.constant 0 : i32
        %dma_wait3A_485 = arith.constant 0 : i32
        %dma_wait3A_486 = tpu.memref_slice %arg5[%dma_wait3A_484, %dma_wait3A_485] : memref<425984x32xf32, #tpu.memory_space<hbm>> -> memref<128x32xf32, #tpu.memory_space<hbm>>
        %dma_wait3A_487 = arith.constant 0 : i32
        %dma_wait3A_488 = arith.constant 0 : i32
        %dma_wait3A_489 = tpu.memref_slice %arg9[%dma_wait3A_473, %dma_wait3A_487, %dma_wait3A_488] : memref<4x128x32xf32, #tpu.memory_space<vmem>> -> memref<1x128x32xf32, #tpu.memory_space<vmem>>
        %dma_wait3A_490 = tpu.memref_squeeze %dma_wait3A_489 : memref<1x128x32xf32, #tpu.memory_space<vmem>> -> memref<128x32xf32, #tpu.memory_space<vmem>>
        tpu.wait_dma2 semaphore(%dma_wait3A_483 : memref<!tpu.dma_semaphore, #tpu.memory_space<semaphore_mem>>) src(%dma_wait3A_490 : memref<128x32xf32, #tpu.memory_space<vmem>>) dst(%dma_wait3A_486 : memref<128x32xf32, #tpu.memory_space<hbm>>)
      } else {
      }
      %scan3A_235 = arith.constant 0 : i32
      %scan3A_236 = arith.constant 0 : i32
      %scan3A_237 = arith.constant 128 : i32
      %scan3A_238 = arith.addi %scan3A_236, %scan3A_237 : i32
      %scan3A_239 = arith.constant 1 : i32
      scf.for %scan3A_473 = %scan3A_236 to %scan3A_238 step %scan3A_239  : i32 {
        %get3A = arith.constant 0 : i32
        %get3A_474 = arith.index_cast %get3A : i32 to index
        %get3A_475 = arith.index_cast %scan3A_473 : i32 to index
        %get3A_476 = arith.constant 0 : index
        %get3A_477 = tpu.vector_load %arg7[%get3A_474, %get3A_475, %get3A_476] {strides = array<i32>} : memref<4x128x32xf32, #tpu.memory_space<vmem>>, vector<1x1x16xf32>,
        %get3A_478 = vector.shape_cast %get3A_477 : vector<1x1x16xf32> to vector<16xf32>
        %get3A_479 = arith.constant 0 : i32
        %get3A_480 = arith.index_cast %get3A_479 : i32 to index
        %get3A_481 = arith.index_cast %scan3A_473 : i32 to index
        %get3A_482 = arith.constant 0 : index
        %get3A_483 = tpu.vector_load %arg8[%get3A_480, %get3A_481, %get3A_482] {strides = array<i32>} : memref<4x128x32xf32, #tpu.memory_space<vmem>>, vector<1x1x16xf32>,
        %get3A_484 = vector.shape_cast %get3A_483 : vector<1x1x16xf32> to vector<16xf32>
        %add3A_485 = arith.addf %get3A_478, %get3A_484 : vector<16xf32>
        %swap3A = arith.constant 0 : i32
        %swap3A_486 = arith.index_cast %swap3A : i32 to index
        %swap3A_487 = arith.index_cast %scan3A_473 : i32 to index
        %swap3A_488 = arith.constant 0 : index
        %swap3A_489 = tpu.vector_load %arg9[%swap3A_486, %swap3A_487, %swap3A_488] {strides = array<i32>} : memref<4x128x32xf32, #tpu.memory_space<vmem>>, vector<1x1x16xf32>,
        %swap3A_490 = vector.shape_cast %swap3A_489 : vector<1x1x16xf32> to vector<16xf32>
        %swap3A_491 = vector.shape_cast %add3A_485 : vector<16xf32> to vector<1x1x16xf32>
        tpu.vector_store %arg9[%swap3A_486, %swap3A_487, %swap3A_488], %swap3A_491 {strides = array<i32>} : memref<4x128x32xf32, #tpu.memory_space<vmem>>, vector<1x1x16xf32>,
        %get3A_492 = arith.constant 0 : i32
        %get3A_493 = arith.index_cast %get3A_492 : i32 to index
        %get3A_494 = arith.index_cast %scan3A_473 : i32 to index
        %get3A_495 = arith.constant 16 : index
        %get3A_496 = tpu.vector_load %arg7[%get3A_493, %get3A_494, %get3A_495] {strides = array<i32>} : memref<4x128x32xf32, #tpu.memory_space<vmem>>, vector<1x1x16xf32>,
        %get3A_497 = vector.shape_cast %get3A_496 : vector<1x1x16xf32> to vector<16xf32>
        %get3A_498 = arith.constant 0 : i32
        %get3A_499 = arith.index_cast %get3A_498 : i32 to index
        %get3A_500 = arith.index_cast %scan3A_473 : i32 to index
        %get3A_501 = arith.constant 16 : index
        %get3A_502 = tpu.vector_load %arg8[%get3A_499, %get3A_500, %get3A_501] {strides = array<i32>} : memref<4x128x32xf32, #tpu.memory_space<vmem>>, vector<1x1x16xf32>,
        %get3A_503 = vector.shape_cast %get3A_502 : vector<1x1x16xf32> to vector<16xf32>
        %add3A_504 = arith.addf %get3A_497, %get3A_503 : vector<16xf32>
        %swap3A_505 = arith.constant 0 : i32
        %swap3A_506 = arith.index_cast %swap3A_505 : i32 to index
        %swap3A_507 = arith.index_cast %scan3A_473 : i32 to index
        %swap3A_508 = arith.constant 16 : index
        %swap3A_509 = tpu.vector_load %arg9[%swap3A_506, %swap3A_507, %swap3A_508] {strides = array<i32>} : memref<4x128x32xf32, #tpu.memory_space<vmem>>, vector<1x1x16xf32>,
        %swap3A_510 = vector.shape_cast %swap3A_509 : vector<1x1x16xf32> to vector<16xf32>
        %swap3A_511 = vector.shape_cast %add3A_504 : vector<16xf32> to vector<1x1x16xf32>
        tpu.vector_store %arg9[%swap3A_506, %swap3A_507, %swap3A_508], %swap3A_511 {strides = array<i32>} : memref<4x128x32xf32, #tpu.memory_space<vmem>>, vector<1x1x16xf32>,
      }
      %scan3A_240 = arith.constant 128 : i32
      %add3A_241 = arith.constant 4 : i32
      %add3A_242 = arith.addi %add3A_204, %add3A_241 : i32
      %lt3A = arith.constant 104 : i32
      %lt3A_243 = arith.cmpi slt, %add3A_242, %lt3A : i32
      %convert_element_type3A_244 = arith.extui %lt3A_243 : i1 to i32
      %cond3A_245 = arith.constant 0 : i32
      %cond3A_246 = arith.cmpi ne, %convert_element_type3A_244, %cond3A_245 : i32
      scf.if %cond3A_246 {
        %add3A_473 = arith.constant 4 : i32
        %add3A_474 = arith.addi %add3A_204, %add3A_473 : i32
        %dma_start3A_475 = arith.constant 0 : i32
        %dma_start3A_476 = arith.constant 0 : i32
        %dma_start3A_477 = arith.constant 0 : i32
        %dma_start3A_478 = arith.constant 0 : i32
        %dma_start3A_479 = tpu.memref_slice %arg7[%dma_start3A_475, %dma_start3A_477, %dma_start3A_478] : memref<4x128x32xf32, #tpu.memory_space<vmem>> -> memref<1x128x32xf32, #tpu.memory_space<vmem>>
        %dma_start3A_480 = tpu.memref_squeeze %dma_start3A_479 : memref<1x128x32xf32, #tpu.memory_space<vmem>> -> memref<128x32xf32, #tpu.memory_space<vmem>>
        %dma_start3A_481 = arith.constant 0 : i32
        %dma_start3A_482 = tpu.memref_slice %arg6[%add3A_474, %dma_start3A_481] : memref<104x128xi32, #tpu.memory_space<vmem>> -> memref<1x128xi32, #tpu.memory_space<vmem>>
        %dma_start3A_483 = tpu.memref_squeeze %dma_start3A_482 : memref<1x128xi32, #tpu.memory_space<vmem>> -> memref<128xi32, #tpu.memory_space<vmem>>
        %dma_start3A_484 = arith.constant 0 : i32
        %dma_start3A_485 = arith.constant 0 : i32
        %dma_start3A_486 = tpu.memref_slice %arg3[%dma_start3A_484, %dma_start3A_485] : memref<1000000x32xf32, #tpu.memory_space<hbm>> -> memref<1000000x32xf32, #tpu.memory_space<hbm>>
        %dma_start3A_487 = tpu.memref_slice %arg10[%dma_start3A_476] : memref<4x!tpu.dma_semaphore, #tpu.memory_space<semaphore_mem>> -> memref<1x!tpu.dma_semaphore, #tpu.memory_space<semaphore_mem>>
        %dma_start3A_488 = tpu.memref_squeeze %dma_start3A_487 : memref<1x!tpu.dma_semaphore, #tpu.memory_space<semaphore_mem>> -> memref<!tpu.dma_semaphore, #tpu.memory_space<semaphore_mem>>
        tpu.enqueue_indirect_dma source(%dma_start3A_486 : memref<1000000x32xf32, #tpu.memory_space<hbm>>) target(%dma_start3A_480 : memref<128x32xf32, #tpu.memory_space<vmem>>) offsets(%dma_start3A_483 : memref<128xi32, #tpu.memory_space<vmem>>) semaphore(%dma_start3A_488 : memref<!tpu.dma_semaphore, #tpu.memory_space<semaphore_mem>>)
        %add3A_489 = arith.constant 4 : i32
        %add3A_490 = arith.addi %add3A_204, %add3A_489 : i32
        %dma_start3A_491 = arith.constant 0 : i32
        %dma_start3A_492 = arith.constant 0 : i32
        %dma_start3A_493 = arith.constant 0 : i32
        %dma_start3A_494 = arith.constant 0 : i32
        %dma_start3A_495 = tpu.memref_slice %arg8[%dma_start3A_491, %dma_start3A_493, %dma_start3A_494] : memref<4x128x32xf32, #tpu.memory_space<vmem>> -> memref<1x128x32xf32, #tpu.memory_space<vmem>>
        %dma_start3A_496 = tpu.memref_squeeze %dma_start3A_495 : memref<1x128x32xf32, #tpu.memory_space<vmem>> -> memref<128x32xf32, #tpu.memory_space<vmem>>
        %dma_start3A_497 = arith.constant 0 : i32
        %dma_start3A_498 = tpu.memref_slice %arg6[%add3A_490, %dma_start3A_497] : memref<104x128xi32, #tpu.memory_space<vmem>> -> memref<1x128xi32, #tpu.memory_space<vmem>>
        %dma_start3A_499 = tpu.memref_squeeze %dma_start3A_498 : memref<1x128xi32, #tpu.memory_space<vmem>> -> memref<128xi32, #tpu.memory_space<vmem>>
        %dma_start3A_500 = arith.constant 0 : i32
        %dma_start3A_501 = arith.constant 0 : i32
        %dma_start3A_502 = tpu.memref_slice %arg4[%dma_start3A_500, %dma_start3A_501] : memref<1000000x32xf32, #tpu.memory_space<hbm>> -> memref<1000000x32xf32, #tpu.memory_space<hbm>>
        %dma_start3A_503 = tpu.memref_slice %arg10[%dma_start3A_492] : memref<4x!tpu.dma_semaphore, #tpu.memory_space<semaphore_mem>> -> memref<1x!tpu.dma_semaphore, #tpu.memory_space<semaphore_mem>>
        %dma_start3A_504 = tpu.memref_squeeze %dma_start3A_503 : memref<1x!tpu.dma_semaphore, #tpu.memory_space<semaphore_mem>> -> memref<!tpu.dma_semaphore, #tpu.memory_space<semaphore_mem>>
        tpu.enqueue_indirect_dma source(%dma_start3A_502 : memref<1000000x32xf32, #tpu.memory_space<hbm>>) target(%dma_start3A_496 : memref<128x32xf32, #tpu.memory_space<vmem>>) offsets(%dma_start3A_499 : memref<128xi32, #tpu.memory_space<vmem>>) semaphore(%dma_start3A_504 : memref<!tpu.dma_semaphore, #tpu.memory_space<semaphore_mem>>)
      } else {
      }
      %mul3A_247 = arith.constant 128 : i32
      %mul3A_248 = arith.muli %add3A_204, %mul3A_247 : i32
      %add3A_249 = arith.addi %mul3A_4, %mul3A_248 : i32
      %dma_start3A_250 = arith.constant 0 : i32
      %dma_start3A_251 = arith.constant 0 : i32
      %dma_start3A_252 = arith.constant 0 : i32
      %dma_start3A_253 = arith.constant 0 : i32
      %dma_start3A_254 = tpu.memref_slice %arg9[%dma_start3A_250, %dma_start3A_252, %dma_start3A_253] : memref<4x128x32xf32, #tpu.memory_space<vmem>> -> memref<1x128x32xf32, #tpu.memory_space<vmem>>
      %dma_start3A_255 = tpu.memref_squeeze %dma_start3A_254 : memref<1x128x32xf32, #tpu.memory_space<vmem>> -> memref<128x32xf32, #tpu.memory_space<vmem>>
      %dma_start3A_256 = arith.constant 0 : i32
      %dma_start3A_257 = tpu.memref_slice %arg5[%add3A_249, %dma_start3A_256] : memref<425984x32xf32, #tpu.memory_space<hbm>> -> memref<128x32xf32, #tpu.memory_space<hbm>>
      %dma_start3A_258 = tpu.memref_slice %arg11[%dma_start3A_251] : memref<4x!tpu.dma_semaphore, #tpu.memory_space<semaphore_mem>> -> memref<1x!tpu.dma_semaphore, #tpu.memory_space<semaphore_mem>>
      %dma_start3A_259 = tpu.memref_squeeze %dma_start3A_258 : memref<1x!tpu.dma_semaphore, #tpu.memory_space<semaphore_mem>> -> memref<!tpu.dma_semaphore, #tpu.memory_space<semaphore_mem>>
      %dma_start3A_260 = arith.constant 0 : i32
      %dma_start3A_261 = tpu.memref_slice %arg5[%add3A_249, %dma_start3A_260] : memref<425984x32xf32, #tpu.memory_space<hbm>> -> memref<128x32xf32, #tpu.memory_space<hbm>>
      %dma_start3A_262 = arith.constant 0 : i32
      %dma_start3A_263 = arith.constant 0 : i32
      %dma_start3A_264 = tpu.memref_slice %arg9[%dma_start3A_250, %dma_start3A_262, %dma_start3A_263] : memref<4x128x32xf32, #tpu.memory_space<vmem>> -> memref<1x128x32xf32, #tpu.memory_space<vmem>>
      %dma_start3A_265 = tpu.memref_squeeze %dma_start3A_264 : memref<1x128x32xf32, #tpu.memory_space<vmem>> -> memref<128x32xf32, #tpu.memory_space<vmem>>
      tpu.enqueue_dma source(%dma_start3A_265 : memref<128x32xf32, #tpu.memory_space<vmem>>) target(%dma_start3A_261 : memref<128x32xf32, #tpu.memory_space<hbm>>) target_semaphore(%dma_start3A_259 : memref<!tpu.dma_semaphore, #tpu.memory_space<semaphore_mem>>)
      %mul3A_266 = arith.constant 4 : i32
      %mul3A_267 = arith.muli %scan3A_200, %mul3A_266 : i32
      %add3A_268 = arith.constant 1 : i32
      %add3A_269 = arith.addi %mul3A_267, %add3A_268 : i32
      %dma_wait3A_270 = arith.constant 1 : i32
      %dma_wait3A_271 = arith.constant 1 : i32
      %dma_wait3A_272 = arith.constant 0 : i32
      %dma_wait3A_273 = arith.constant 0 : i32
      %dma_wait3A_274 = tpu.memref_slice %arg7[%dma_wait3A_270, %dma_wait3A_272, %dma_wait3A_273] : memref<4x128x32xf32, #tpu.memory_space<vmem>> -> memref<1x128x32xf32, #tpu.memory_space<vmem>>
      %dma_wait3A_275 = tpu.memref_squeeze %dma_wait3A_274 : memref<1x128x32xf32, #tpu.memory_space<vmem>> -> memref<128x32xf32, #tpu.memory_space<vmem>>
      %dma_wait3A_276 = arith.constant 0 : i32
      %dma_wait3A_277 = tpu.memref_slice %arg6[%add3A_269, %dma_wait3A_276] : memref<104x128xi32, #tpu.memory_space<vmem>> -> memref<1x128xi32, #tpu.memory_space<vmem>>
      %dma_wait3A_278 = tpu.memref_squeeze %dma_wait3A_277 : memref<1x128xi32, #tpu.memory_space<vmem>> -> memref<128xi32, #tpu.memory_space<vmem>>
      %dma_wait3A_279 = arith.constant 0 : i32
      %dma_wait3A_280 = arith.constant 0 : i32
      %dma_wait3A_281 = tpu.memref_slice %arg3[%dma_wait3A_279, %dma_wait3A_280] : memref<1000000x32xf32, #tpu.memory_space<hbm>> -> memref<1000000x32xf32, #tpu.memory_space<hbm>>
      %dma_wait3A_282 = tpu.memref_slice %arg10[%dma_wait3A_271] : memref<4x!tpu.dma_semaphore, #tpu.memory_space<semaphore_mem>> -> memref<1x!tpu.dma_semaphore, #tpu.memory_space<semaphore_mem>>
      %dma_wait3A_283 = tpu.memref_squeeze %dma_wait3A_282 : memref<1x!tpu.dma_semaphore, #tpu.memory_space<semaphore_mem>> -> memref<!tpu.dma_semaphore, #tpu.memory_space<semaphore_mem>>
      tpu.wait_indirect_dma semaphore(%dma_wait3A_283 : memref<!tpu.dma_semaphore, #tpu.memory_space<semaphore_mem>>) src(%dma_wait3A_281 : memref<1000000x32xf32, #tpu.memory_space<hbm>>) dst(%dma_wait3A_275 : memref<128x32xf32, #tpu.memory_space<vmem>>)
      %dma_wait3A_284 = arith.constant 1 : i32
      %dma_wait3A_285 = arith.constant 1 : i32
      %dma_wait3A_286 = arith.constant 0 : i32
      %dma_wait3A_287 = arith.constant 0 : i32
      %dma_wait3A_288 = tpu.memref_slice %arg8[%dma_wait3A_284, %dma_wait3A_286, %dma_wait3A_287] : memref<4x128x32xf32, #tpu.memory_space<vmem>> -> memref<1x128x32xf32, #tpu.memory_space<vmem>>
      %dma_wait3A_289 = tpu.memref_squeeze %dma_wait3A_288 : memref<1x128x32xf32, #tpu.memory_space<vmem>> -> memref<128x32xf32, #tpu.memory_space<vmem>>
      %dma_wait3A_290 = arith.constant 0 : i32
      %dma_wait3A_291 = tpu.memref_slice %arg6[%add3A_269, %dma_wait3A_290] : memref<104x128xi32, #tpu.memory_space<vmem>> -> memref<1x128xi32, #tpu.memory_space<vmem>>
      %dma_wait3A_292 = tpu.memref_squeeze %dma_wait3A_291 : memref<1x128xi32, #tpu.memory_space<vmem>> -> memref<128xi32, #tpu.memory_space<vmem>>
      %dma_wait3A_293 = arith.constant 0 : i32
      %dma_wait3A_294 = arith.constant 0 : i32
      %dma_wait3A_295 = tpu.memref_slice %arg3[%dma_wait3A_293, %dma_wait3A_294] : memref<1000000x32xf32, #tpu.memory_space<hbm>> -> memref<1000000x32xf32, #tpu.memory_space<hbm>>
      %dma_wait3A_296 = tpu.memref_slice %arg10[%dma_wait3A_285] : memref<4x!tpu.dma_semaphore, #tpu.memory_space<semaphore_mem>> -> memref<1x!tpu.dma_semaphore, #tpu.memory_space<semaphore_mem>>
      %dma_wait3A_297 = tpu.memref_squeeze %dma_wait3A_296 : memref<1x!tpu.dma_semaphore, #tpu.memory_space<semaphore_mem>> -> memref<!tpu.dma_semaphore, #tpu.memory_space<semaphore_mem>>
      tpu.wait_indirect_dma semaphore(%dma_wait3A_297 : memref<!tpu.dma_semaphore, #tpu.memory_space<semaphore_mem>>) src(%dma_wait3A_295 : memref<1000000x32xf32, #tpu.memory_space<hbm>>) dst(%dma_wait3A_289 : memref<128x32xf32, #tpu.memory_space<vmem>>)
      %gt3A_298 = arith.constant 0 : i32
      %gt3A_299 = arith.cmpi sgt, %scan3A_200, %gt3A_298 : i32
      %convert_element_type3A_300 = arith.extui %gt3A_299 : i1 to i32
      %cond3A_301 = arith.constant 0 : i32
      %cond3A_302 = arith.cmpi ne, %convert_element_type3A_300, %cond3A_301 : i32
      scf.if %cond3A_302 {
        %dma_wait3A_473 = arith.constant 1 : i32
        %dma_wait3A_474 = arith.constant 1 : i32
        %dma_wait3A_475 = arith.constant 0 : i32
        %dma_wait3A_476 = arith.constant 0 : i32
        %dma_wait3A_477 = tpu.memref_slice %arg9[%dma_wait3A_473, %dma_wait3A_475, %dma_wait3A_476] : memref<4x128x32xf32, #tpu.memory_space<vmem>> -> memref<1x128x32xf32, #tpu.memory_space<vmem>>
        %dma_wait3A_478 = tpu.memref_squeeze %dma_wait3A_477 : memref<1x128x32xf32, #tpu.memory_space<vmem>> -> memref<128x32xf32, #tpu.memory_space<vmem>>
        %dma_wait3A_479 = arith.constant 0 : i32
        %dma_wait3A_480 = arith.constant 0 : i32
        %dma_wait3A_481 = tpu.memref_slice %arg5[%dma_wait3A_479, %dma_wait3A_480] : memref<425984x32xf32, #tpu.memory_space<hbm>> -> memref<128x32xf32, #tpu.memory_space<hbm>>
        %dma_wait3A_482 = tpu.memref_slice %arg11[%dma_wait3A_474] : memref<4x!tpu.dma_semaphore, #tpu.memory_space<semaphore_mem>> -> memref<1x!tpu.dma_semaphore, #tpu.memory_space<semaphore_mem>>
        %dma_wait3A_483 = tpu.memref_squeeze %dma_wait3A_482 : memref<1x!tpu.dma_semaphore, #tpu.memory_space<semaphore_mem>> -> memref<!tpu.dma_semaphore, #tpu.memory_space<semaphore_mem>>
        %dma_wait3A_484 = arith.constant 0 : i32
        %dma_wait3A_485 = arith.constant 0 : i32
        %dma_wait3A_486 = tpu.memref_slice %arg5[%dma_wait3A_484, %dma_wait3A_485] : memref<425984x32xf32, #tpu.memory_space<hbm>> -> memref<128x32xf32, #tpu.memory_space<hbm>>
        %dma_wait3A_487 = arith.constant 0 : i32
        %dma_wait3A_488 = arith.constant 0 : i32
        %dma_wait3A_489 = tpu.memref_slice %arg9[%dma_wait3A_473, %dma_wait3A_487, %dma_wait3A_488] : memref<4x128x32xf32, #tpu.memory_space<vmem>> -> memref<1x128x32xf32, #tpu.memory_space<vmem>>
        %dma_wait3A_490 = tpu.memref_squeeze %dma_wait3A_489 : memref<1x128x32xf32, #tpu.memory_space<vmem>> -> memref<128x32xf32, #tpu.memory_space<vmem>>
        tpu.wait_dma2 semaphore(%dma_wait3A_483 : memref<!tpu.dma_semaphore, #tpu.memory_space<semaphore_mem>>) src(%dma_wait3A_490 : memref<128x32xf32, #tpu.memory_space<vmem>>) dst(%dma_wait3A_486 : memref<128x32xf32, #tpu.memory_space<hbm>>)
      } else {
      }
      %scan3A_303 = arith.constant 0 : i32
      %scan3A_304 = arith.constant 0 : i32
      %scan3A_305 = arith.constant 128 : i32
      %scan3A_306 = arith.addi %scan3A_304, %scan3A_305 : i32
      %scan3A_307 = arith.constant 1 : i32
      scf.for %scan3A_473 = %scan3A_304 to %scan3A_306 step %scan3A_307  : i32 {
        %get3A = arith.constant 1 : i32
        %get3A_474 = arith.index_cast %get3A : i32 to index
        %get3A_475 = arith.index_cast %scan3A_473 : i32 to index
        %get3A_476 = arith.constant 0 : index
        %get3A_477 = tpu.vector_load %arg7[%get3A_474, %get3A_475, %get3A_476] {strides = array<i32>} : memref<4x128x32xf32, #tpu.memory_space<vmem>>, vector<1x1x16xf32>,
        %get3A_478 = vector.shape_cast %get3A_477 : vector<1x1x16xf32> to vector<16xf32>
        %get3A_479 = arith.constant 1 : i32
        %get3A_480 = arith.index_cast %get3A_479 : i32 to index
        %get3A_481 = arith.index_cast %scan3A_473 : i32 to index
        %get3A_482 = arith.constant 0 : index
        %get3A_483 = tpu.vector_load %arg8[%get3A_480, %get3A_481, %get3A_482] {strides = array<i32>} : memref<4x128x32xf32, #tpu.memory_space<vmem>>, vector<1x1x16xf32>,
        %get3A_484 = vector.shape_cast %get3A_483 : vector<1x1x16xf32> to vector<16xf32>
        %add3A_485 = arith.addf %get3A_478, %get3A_484 : vector<16xf32>
        %swap3A = arith.constant 1 : i32
        %swap3A_486 = arith.index_cast %swap3A : i32 to index
        %swap3A_487 = arith.index_cast %scan3A_473 : i32 to index
        %swap3A_488 = arith.constant 0 : index
        %swap3A_489 = tpu.vector_load %arg9[%swap3A_486, %swap3A_487, %swap3A_488] {strides = array<i32>} : memref<4x128x32xf32, #tpu.memory_space<vmem>>, vector<1x1x16xf32>,
        %swap3A_490 = vector.shape_cast %swap3A_489 : vector<1x1x16xf32> to vector<16xf32>
        %swap3A_491 = vector.shape_cast %add3A_485 : vector<16xf32> to vector<1x1x16xf32>
        tpu.vector_store %arg9[%swap3A_486, %swap3A_487, %swap3A_488], %swap3A_491 {strides = array<i32>} : memref<4x128x32xf32, #tpu.memory_space<vmem>>, vector<1x1x16xf32>,
        %get3A_492 = arith.constant 1 : i32
        %get3A_493 = arith.index_cast %get3A_492 : i32 to index
        %get3A_494 = arith.index_cast %scan3A_473 : i32 to index
        %get3A_495 = arith.constant 16 : index
        %get3A_496 = tpu.vector_load %arg7[%get3A_493, %get3A_494, %get3A_495] {strides = array<i32>} : memref<4x128x32xf32, #tpu.memory_space<vmem>>, vector<1x1x16xf32>,
        %get3A_497 = vector.shape_cast %get3A_496 : vector<1x1x16xf32> to vector<16xf32>
        %get3A_498 = arith.constant 1 : i32
        %get3A_499 = arith.index_cast %get3A_498 : i32 to index
        %get3A_500 = arith.index_cast %scan3A_473 : i32 to index
        %get3A_501 = arith.constant 16 : index
        %get3A_502 = tpu.vector_load %arg8[%get3A_499, %get3A_500, %get3A_501] {strides = array<i32>} : memref<4x128x32xf32, #tpu.memory_space<vmem>>, vector<1x1x16xf32>,
        %get3A_503 = vector.shape_cast %get3A_502 : vector<1x1x16xf32> to vector<16xf32>
        %add3A_504 = arith.addf %get3A_497, %get3A_503 : vector<16xf32>
        %swap3A_505 = arith.constant 1 : i32
        %swap3A_506 = arith.index_cast %swap3A_505 : i32 to index
        %swap3A_507 = arith.index_cast %scan3A_473 : i32 to index
        %swap3A_508 = arith.constant 16 : index
        %swap3A_509 = tpu.vector_load %arg9[%swap3A_506, %swap3A_507, %swap3A_508] {strides = array<i32>} : memref<4x128x32xf32, #tpu.memory_space<vmem>>, vector<1x1x16xf32>,
        %swap3A_510 = vector.shape_cast %swap3A_509 : vector<1x1x16xf32> to vector<16xf32>
        %swap3A_511 = vector.shape_cast %add3A_504 : vector<16xf32> to vector<1x1x16xf32>
        tpu.vector_store %arg9[%swap3A_506, %swap3A_507, %swap3A_508], %swap3A_511 {strides = array<i32>} : memref<4x128x32xf32, #tpu.memory_space<vmem>>, vector<1x1x16xf32>,
      }
      %scan3A_308 = arith.constant 128 : i32
      %add3A_309 = arith.constant 4 : i32
      %add3A_310 = arith.addi %add3A_269, %add3A_309 : i32
      %lt3A_311 = arith.constant 104 : i32
      %lt3A_312 = arith.cmpi slt, %add3A_310, %lt3A_311 : i32
      %convert_element_type3A_313 = arith.extui %lt3A_312 : i1 to i32
      %cond3A_314 = arith.constant 0 : i32
      %cond3A_315 = arith.cmpi ne, %convert_element_type3A_313, %cond3A_314 : i32
      scf.if %cond3A_315 {
        %add3A_473 = arith.constant 4 : i32
        %add3A_474 = arith.addi %add3A_269, %add3A_473 : i32
        %dma_start3A_475 = arith.constant 1 : i32
        %dma_start3A_476 = arith.constant 1 : i32
        %dma_start3A_477 = arith.constant 0 : i32
        %dma_start3A_478 = arith.constant 0 : i32
        %dma_start3A_479 = tpu.memref_slice %arg7[%dma_start3A_475, %dma_start3A_477, %dma_start3A_478] : memref<4x128x32xf32, #tpu.memory_space<vmem>> -> memref<1x128x32xf32, #tpu.memory_space<vmem>>
        %dma_start3A_480 = tpu.memref_squeeze %dma_start3A_479 : memref<1x128x32xf32, #tpu.memory_space<vmem>> -> memref<128x32xf32, #tpu.memory_space<vmem>>
        %dma_start3A_481 = arith.constant 0 : i32
        %dma_start3A_482 = tpu.memref_slice %arg6[%add3A_474, %dma_start3A_481] : memref<104x128xi32, #tpu.memory_space<vmem>> -> memref<1x128xi32, #tpu.memory_space<vmem>>
        %dma_start3A_483 = tpu.memref_squeeze %dma_start3A_482 : memref<1x128xi32, #tpu.memory_space<vmem>> -> memref<128xi32, #tpu.memory_space<vmem>>
        %dma_start3A_484 = arith.constant 0 : i32
        %dma_start3A_485 = arith.constant 0 : i32
        %dma_start3A_486 = tpu.memref_slice %arg3[%dma_start3A_484, %dma_start3A_485] : memref<1000000x32xf32, #tpu.memory_space<hbm>> -> memref<1000000x32xf32, #tpu.memory_space<hbm>>
        %dma_start3A_487 = tpu.memref_slice %arg10[%dma_start3A_476] : memref<4x!tpu.dma_semaphore, #tpu.memory_space<semaphore_mem>> -> memref<1x!tpu.dma_semaphore, #tpu.memory_space<semaphore_mem>>
        %dma_start3A_488 = tpu.memref_squeeze %dma_start3A_487 : memref<1x!tpu.dma_semaphore, #tpu.memory_space<semaphore_mem>> -> memref<!tpu.dma_semaphore, #tpu.memory_space<semaphore_mem>>
        tpu.enqueue_indirect_dma source(%dma_start3A_486 : memref<1000000x32xf32, #tpu.memory_space<hbm>>) target(%dma_start3A_480 : memref<128x32xf32, #tpu.memory_space<vmem>>) offsets(%dma_start3A_483 : memref<128xi32, #tpu.memory_space<vmem>>) semaphore(%dma_start3A_488 : memref<!tpu.dma_semaphore, #tpu.memory_space<semaphore_mem>>)
        %add3A_489 = arith.constant 4 : i32
        %add3A_490 = arith.addi %add3A_269, %add3A_489 : i32
        %dma_start3A_491 = arith.constant 1 : i32
        %dma_start3A_492 = arith.constant 1 : i32
        %dma_start3A_493 = arith.constant 0 : i32
        %dma_start3A_494 = arith.constant 0 : i32
        %dma_start3A_495 = tpu.memref_slice %arg8[%dma_start3A_491, %dma_start3A_493, %dma_start3A_494] : memref<4x128x32xf32, #tpu.memory_space<vmem>> -> memref<1x128x32xf32, #tpu.memory_space<vmem>>
        %dma_start3A_496 = tpu.memref_squeeze %dma_start3A_495 : memref<1x128x32xf32, #tpu.memory_space<vmem>> -> memref<128x32xf32, #tpu.memory_space<vmem>>
        %dma_start3A_497 = arith.constant 0 : i32
        %dma_start3A_498 = tpu.memref_slice %arg6[%add3A_490, %dma_start3A_497] : memref<104x128xi32, #tpu.memory_space<vmem>> -> memref<1x128xi32, #tpu.memory_space<vmem>>
        %dma_start3A_499 = tpu.memref_squeeze %dma_start3A_498 : memref<1x128xi32, #tpu.memory_space<vmem>> -> memref<128xi32, #tpu.memory_space<vmem>>
        %dma_start3A_500 = arith.constant 0 : i32
        %dma_start3A_501 = arith.constant 0 : i32
        %dma_start3A_502 = tpu.memref_slice %arg4[%dma_start3A_500, %dma_start3A_501] : memref<1000000x32xf32, #tpu.memory_space<hbm>> -> memref<1000000x32xf32, #tpu.memory_space<hbm>>
        %dma_start3A_503 = tpu.memref_slice %arg10[%dma_start3A_492] : memref<4x!tpu.dma_semaphore, #tpu.memory_space<semaphore_mem>> -> memref<1x!tpu.dma_semaphore, #tpu.memory_space<semaphore_mem>>
        %dma_start3A_504 = tpu.memref_squeeze %dma_start3A_503 : memref<1x!tpu.dma_semaphore, #tpu.memory_space<semaphore_mem>> -> memref<!tpu.dma_semaphore, #tpu.memory_space<semaphore_mem>>
        tpu.enqueue_indirect_dma source(%dma_start3A_502 : memref<1000000x32xf32, #tpu.memory_space<hbm>>) target(%dma_start3A_496 : memref<128x32xf32, #tpu.memory_space<vmem>>) offsets(%dma_start3A_499 : memref<128xi32, #tpu.memory_space<vmem>>) semaphore(%dma_start3A_504 : memref<!tpu.dma_semaphore, #tpu.memory_space<semaphore_mem>>)
      } else {
      }
      %mul3A_316 = arith.constant 128 : i32
      %mul3A_317 = arith.muli %add3A_269, %mul3A_316 : i32
      %add3A_318 = arith.addi %mul3A_4, %mul3A_317 : i32
      %dma_start3A_319 = arith.constant 1 : i32
      %dma_start3A_320 = arith.constant 1 : i32
      %dma_start3A_321 = arith.constant 0 : i32
      %dma_start3A_322 = arith.constant 0 : i32
      %dma_start3A_323 = tpu.memref_slice %arg9[%dma_start3A_319, %dma_start3A_321, %dma_start3A_322] : memref<4x128x32xf32, #tpu.memory_space<vmem>> -> memref<1x128x32xf32, #tpu.memory_space<vmem>>
      %dma_start3A_324 = tpu.memref_squeeze %dma_start3A_323 : memref<1x128x32xf32, #tpu.memory_space<vmem>> -> memref<128x32xf32, #tpu.memory_space<vmem>>
      %dma_start3A_325 = arith.constant 0 : i32
      %dma_start3A_326 = tpu.memref_slice %arg5[%add3A_318, %dma_start3A_325] : memref<425984x32xf32, #tpu.memory_space<hbm>> -> memref<128x32xf32, #tpu.memory_space<hbm>>
      %dma_start3A_327 = tpu.memref_slice %arg11[%dma_start3A_320] : memref<4x!tpu.dma_semaphore, #tpu.memory_space<semaphore_mem>> -> memref<1x!tpu.dma_semaphore, #tpu.memory_space<semaphore_mem>>
      %dma_start3A_328 = tpu.memref_squeeze %dma_start3A_327 : memref<1x!tpu.dma_semaphore, #tpu.memory_space<semaphore_mem>> -> memref<!tpu.dma_semaphore, #tpu.memory_space<semaphore_mem>>
      %dma_start3A_329 = arith.constant 0 : i32
      %dma_start3A_330 = tpu.memref_slice %arg5[%add3A_318, %dma_start3A_329] : memref<425984x32xf32, #tpu.memory_space<hbm>> -> memref<128x32xf32, #tpu.memory_space<hbm>>
      %dma_start3A_331 = arith.constant 0 : i32
      %dma_start3A_332 = arith.constant 0 : i32
      %dma_start3A_333 = tpu.memref_slice %arg9[%dma_start3A_319, %dma_start3A_331, %dma_start3A_332] : memref<4x128x32xf32, #tpu.memory_space<vmem>> -> memref<1x128x32xf32, #tpu.memory_space<vmem>>
      %dma_start3A_334 = tpu.memref_squeeze %dma_start3A_333 : memref<1x128x32xf32, #tpu.memory_space<vmem>> -> memref<128x32xf32, #tpu.memory_space<vmem>>
      tpu.enqueue_dma source(%dma_start3A_334 : memref<128x32xf32, #tpu.memory_space<vmem>>) target(%dma_start3A_330 : memref<128x32xf32, #tpu.memory_space<hbm>>) target_semaphore(%dma_start3A_328 : memref<!tpu.dma_semaphore, #tpu.memory_space<semaphore_mem>>)
      %mul3A_335 = arith.constant 4 : i32
      %mul3A_336 = arith.muli %scan3A_200, %mul3A_335 : i32
      %add3A_337 = arith.constant 2 : i32
      %add3A_338 = arith.addi %mul3A_336, %add3A_337 : i32
      %dma_wait3A_339 = arith.constant 2 : i32
      %dma_wait3A_340 = arith.constant 2 : i32
      %dma_wait3A_341 = arith.constant 0 : i32
      %dma_wait3A_342 = arith.constant 0 : i32
      %dma_wait3A_343 = tpu.memref_slice %arg7[%dma_wait3A_339, %dma_wait3A_341, %dma_wait3A_342] : memref<4x128x32xf32, #tpu.memory_space<vmem>> -> memref<1x128x32xf32, #tpu.memory_space<vmem>>
      %dma_wait3A_344 = tpu.memref_squeeze %dma_wait3A_343 : memref<1x128x32xf32, #tpu.memory_space<vmem>> -> memref<128x32xf32, #tpu.memory_space<vmem>>
      %dma_wait3A_345 = arith.constant 0 : i32
      %dma_wait3A_346 = tpu.memref_slice %arg6[%add3A_338, %dma_wait3A_345] : memref<104x128xi32, #tpu.memory_space<vmem>> -> memref<1x128xi32, #tpu.memory_space<vmem>>
      %dma_wait3A_347 = tpu.memref_squeeze %dma_wait3A_346 : memref<1x128xi32, #tpu.memory_space<vmem>> -> memref<128xi32, #tpu.memory_space<vmem>>
      %dma_wait3A_348 = arith.constant 0 : i32
      %dma_wait3A_349 = arith.constant 0 : i32
      %dma_wait3A_350 = tpu.memref_slice %arg3[%dma_wait3A_348, %dma_wait3A_349] : memref<1000000x32xf32, #tpu.memory_space<hbm>> -> memref<1000000x32xf32, #tpu.memory_space<hbm>>
      %dma_wait3A_351 = tpu.memref_slice %arg10[%dma_wait3A_340] : memref<4x!tpu.dma_semaphore, #tpu.memory_space<semaphore_mem>> -> memref<1x!tpu.dma_semaphore, #tpu.memory_space<semaphore_mem>>
      %dma_wait3A_352 = tpu.memref_squeeze %dma_wait3A_351 : memref<1x!tpu.dma_semaphore, #tpu.memory_space<semaphore_mem>> -> memref<!tpu.dma_semaphore, #tpu.memory_space<semaphore_mem>>
      tpu.wait_indirect_dma semaphore(%dma_wait3A_352 : memref<!tpu.dma_semaphore, #tpu.memory_space<semaphore_mem>>) src(%dma_wait3A_350 : memref<1000000x32xf32, #tpu.memory_space<hbm>>) dst(%dma_wait3A_344 : memref<128x32xf32, #tpu.memory_space<vmem>>)
      %dma_wait3A_353 = arith.constant 2 : i32
      %dma_wait3A_354 = arith.constant 2 : i32
      %dma_wait3A_355 = arith.constant 0 : i32
      %dma_wait3A_356 = arith.constant 0 : i32
      %dma_wait3A_357 = tpu.memref_slice %arg8[%dma_wait3A_353, %dma_wait3A_355, %dma_wait3A_356] : memref<4x128x32xf32, #tpu.memory_space<vmem>> -> memref<1x128x32xf32, #tpu.memory_space<vmem>>
      %dma_wait3A_358 = tpu.memref_squeeze %dma_wait3A_357 : memref<1x128x32xf32, #tpu.memory_space<vmem>> -> memref<128x32xf32, #tpu.memory_space<vmem>>
      %dma_wait3A_359 = arith.constant 0 : i32
      %dma_wait3A_360 = tpu.memref_slice %arg6[%add3A_338, %dma_wait3A_359] : memref<104x128xi32, #tpu.memory_space<vmem>> -> memref<1x128xi32, #tpu.memory_space<vmem>>
      %dma_wait3A_361 = tpu.memref_squeeze %dma_wait3A_360 : memref<1x128xi32, #tpu.memory_space<vmem>> -> memref<128xi32, #tpu.memory_space<vmem>>
      %dma_wait3A_362 = arith.constant 0 : i32
      %dma_wait3A_363 = arith.constant 0 : i32
      %dma_wait3A_364 = tpu.memref_slice %arg3[%dma_wait3A_362, %dma_wait3A_363] : memref<1000000x32xf32, #tpu.memory_space<hbm>> -> memref<1000000x32xf32, #tpu.memory_space<hbm>>
      %dma_wait3A_365 = tpu.memref_slice %arg10[%dma_wait3A_354] : memref<4x!tpu.dma_semaphore, #tpu.memory_space<semaphore_mem>> -> memref<1x!tpu.dma_semaphore, #tpu.memory_space<semaphore_mem>>
      %dma_wait3A_366 = tpu.memref_squeeze %dma_wait3A_365 : memref<1x!tpu.dma_semaphore, #tpu.memory_space<semaphore_mem>> -> memref<!tpu.dma_semaphore, #tpu.memory_space<semaphore_mem>>
      tpu.wait_indirect_dma semaphore(%dma_wait3A_366 : memref<!tpu.dma_semaphore, #tpu.memory_space<semaphore_mem>>) src(%dma_wait3A_364 : memref<1000000x32xf32, #tpu.memory_space<hbm>>) dst(%dma_wait3A_358 : memref<128x32xf32, #tpu.memory_space<vmem>>)
      %gt3A_367 = arith.constant 0 : i32
      %gt3A_368 = arith.cmpi sgt, %scan3A_200, %gt3A_367 : i32
      %convert_element_type3A_369 = arith.extui %gt3A_368 : i1 to i32
      %cond3A_370 = arith.constant 0 : i32
      %cond3A_371 = arith.cmpi ne, %convert_element_type3A_369, %cond3A_370 : i32
      scf.if %cond3A_371 {
        %dma_wait3A_473 = arith.constant 2 : i32
        %dma_wait3A_474 = arith.constant 2 : i32
        %dma_wait3A_475 = arith.constant 0 : i32
        %dma_wait3A_476 = arith.constant 0 : i32
        %dma_wait3A_477 = tpu.memref_slice %arg9[%dma_wait3A_473, %dma_wait3A_475, %dma_wait3A_476] : memref<4x128x32xf32, #tpu.memory_space<vmem>> -> memref<1x128x32xf32, #tpu.memory_space<vmem>>
        %dma_wait3A_478 = tpu.memref_squeeze %dma_wait3A_477 : memref<1x128x32xf32, #tpu.memory_space<vmem>> -> memref<128x32xf32, #tpu.memory_space<vmem>>
        %dma_wait3A_479 = arith.constant 0 : i32
        %dma_wait3A_480 = arith.constant 0 : i32
        %dma_wait3A_481 = tpu.memref_slice %arg5[%dma_wait3A_479, %dma_wait3A_480] : memref<425984x32xf32, #tpu.memory_space<hbm>> -> memref<128x32xf32, #tpu.memory_space<hbm>>
        %dma_wait3A_482 = tpu.memref_slice %arg11[%dma_wait3A_474] : memref<4x!tpu.dma_semaphore, #tpu.memory_space<semaphore_mem>> -> memref<1x!tpu.dma_semaphore, #tpu.memory_space<semaphore_mem>>
        %dma_wait3A_483 = tpu.memref_squeeze %dma_wait3A_482 : memref<1x!tpu.dma_semaphore, #tpu.memory_space<semaphore_mem>> -> memref<!tpu.dma_semaphore, #tpu.memory_space<semaphore_mem>>
        %dma_wait3A_484 = arith.constant 0 : i32
        %dma_wait3A_485 = arith.constant 0 : i32
        %dma_wait3A_486 = tpu.memref_slice %arg5[%dma_wait3A_484, %dma_wait3A_485] : memref<425984x32xf32, #tpu.memory_space<hbm>> -> memref<128x32xf32, #tpu.memory_space<hbm>>
        %dma_wait3A_487 = arith.constant 0 : i32
        %dma_wait3A_488 = arith.constant 0 : i32
        %dma_wait3A_489 = tpu.memref_slice %arg9[%dma_wait3A_473, %dma_wait3A_487, %dma_wait3A_488] : memref<4x128x32xf32, #tpu.memory_space<vmem>> -> memref<1x128x32xf32, #tpu.memory_space<vmem>>
        %dma_wait3A_490 = tpu.memref_squeeze %dma_wait3A_489 : memref<1x128x32xf32, #tpu.memory_space<vmem>> -> memref<128x32xf32, #tpu.memory_space<vmem>>
        tpu.wait_dma2 semaphore(%dma_wait3A_483 : memref<!tpu.dma_semaphore, #tpu.memory_space<semaphore_mem>>) src(%dma_wait3A_490 : memref<128x32xf32, #tpu.memory_space<vmem>>) dst(%dma_wait3A_486 : memref<128x32xf32, #tpu.memory_space<hbm>>)
      } else {
      }
      %scan3A_372 = arith.constant 0 : i32
      %scan3A_373 = arith.constant 0 : i32
      %scan3A_374 = arith.constant 128 : i32
      %scan3A_375 = arith.addi %scan3A_373, %scan3A_374 : i32
      %scan3A_376 = arith.constant 1 : i32
      scf.for %scan3A_473 = %scan3A_373 to %scan3A_375 step %scan3A_376  : i32 {
        %get3A = arith.constant 2 : i32
        %get3A_474 = arith.index_cast %get3A : i32 to index
        %get3A_475 = arith.index_cast %scan3A_473 : i32 to index
        %get3A_476 = arith.constant 0 : index
        %get3A_477 = tpu.vector_load %arg7[%get3A_474, %get3A_475, %get3A_476] {strides = array<i32>} : memref<4x128x32xf32, #tpu.memory_space<vmem>>, vector<1x1x16xf32>,
        %get3A_478 = vector.shape_cast %get3A_477 : vector<1x1x16xf32> to vector<16xf32>
        %get3A_479 = arith.constant 2 : i32
        %get3A_480 = arith.index_cast %get3A_479 : i32 to index
        %get3A_481 = arith.index_cast %scan3A_473 : i32 to index
        %get3A_482 = arith.constant 0 : index
        %get3A_483 = tpu.vector_load %arg8[%get3A_480, %get3A_481, %get3A_482] {strides = array<i32>} : memref<4x128x32xf32, #tpu.memory_space<vmem>>, vector<1x1x16xf32>,
        %get3A_484 = vector.shape_cast %get3A_483 : vector<1x1x16xf32> to vector<16xf32>
        %add3A_485 = arith.addf %get3A_478, %get3A_484 : vector<16xf32>
        %swap3A = arith.constant 2 : i32
        %swap3A_486 = arith.index_cast %swap3A : i32 to index
        %swap3A_487 = arith.index_cast %scan3A_473 : i32 to index
        %swap3A_488 = arith.constant 0 : index
        %swap3A_489 = tpu.vector_load %arg9[%swap3A_486, %swap3A_487, %swap3A_488] {strides = array<i32>} : memref<4x128x32xf32, #tpu.memory_space<vmem>>, vector<1x1x16xf32>,
        %swap3A_490 = vector.shape_cast %swap3A_489 : vector<1x1x16xf32> to vector<16xf32>
        %swap3A_491 = vector.shape_cast %add3A_485 : vector<16xf32> to vector<1x1x16xf32>
        tpu.vector_store %arg9[%swap3A_486, %swap3A_487, %swap3A_488], %swap3A_491 {strides = array<i32>} : memref<4x128x32xf32, #tpu.memory_space<vmem>>, vector<1x1x16xf32>,
        %get3A_492 = arith.constant 2 : i32
        %get3A_493 = arith.index_cast %get3A_492 : i32 to index
        %get3A_494 = arith.index_cast %scan3A_473 : i32 to index
        %get3A_495 = arith.constant 16 : index
        %get3A_496 = tpu.vector_load %arg7[%get3A_493, %get3A_494, %get3A_495] {strides = array<i32>} : memref<4x128x32xf32, #tpu.memory_space<vmem>>, vector<1x1x16xf32>,
        %get3A_497 = vector.shape_cast %get3A_496 : vector<1x1x16xf32> to vector<16xf32>
        %get3A_498 = arith.constant 2 : i32
        %get3A_499 = arith.index_cast %get3A_498 : i32 to index
        %get3A_500 = arith.index_cast %scan3A_473 : i32 to index
        %get3A_501 = arith.constant 16 : index
        %get3A_502 = tpu.vector_load %arg8[%get3A_499, %get3A_500, %get3A_501] {strides = array<i32>} : memref<4x128x32xf32, #tpu.memory_space<vmem>>, vector<1x1x16xf32>,
        %get3A_503 = vector.shape_cast %get3A_502 : vector<1x1x16xf32> to vector<16xf32>
        %add3A_504 = arith.addf %get3A_497, %get3A_503 : vector<16xf32>
        %swap3A_505 = arith.constant 2 : i32
        %swap3A_506 = arith.index_cast %swap3A_505 : i32 to index
        %swap3A_507 = arith.index_cast %scan3A_473 : i32 to index
        %swap3A_508 = arith.constant 16 : index
        %swap3A_509 = tpu.vector_load %arg9[%swap3A_506, %swap3A_507, %swap3A_508] {strides = array<i32>} : memref<4x128x32xf32, #tpu.memory_space<vmem>>, vector<1x1x16xf32>,
        %swap3A_510 = vector.shape_cast %swap3A_509 : vector<1x1x16xf32> to vector<16xf32>
        %swap3A_511 = vector.shape_cast %add3A_504 : vector<16xf32> to vector<1x1x16xf32>
        tpu.vector_store %arg9[%swap3A_506, %swap3A_507, %swap3A_508], %swap3A_511 {strides = array<i32>} : memref<4x128x32xf32, #tpu.memory_space<vmem>>, vector<1x1x16xf32>,
      }
      %scan3A_377 = arith.constant 128 : i32
      %add3A_378 = arith.constant 4 : i32
      %add3A_379 = arith.addi %add3A_338, %add3A_378 : i32
      %lt3A_380 = arith.constant 104 : i32
      %lt3A_381 = arith.cmpi slt, %add3A_379, %lt3A_380 : i32
      %convert_element_type3A_382 = arith.extui %lt3A_381 : i1 to i32
      %cond3A_383 = arith.constant 0 : i32
      %cond3A_384 = arith.cmpi ne, %convert_element_type3A_382, %cond3A_383 : i32
      scf.if %cond3A_384 {
        %add3A_473 = arith.constant 4 : i32
        %add3A_474 = arith.addi %add3A_338, %add3A_473 : i32
        %dma_start3A_475 = arith.constant 2 : i32
        %dma_start3A_476 = arith.constant 2 : i32
        %dma_start3A_477 = arith.constant 0 : i32
        %dma_start3A_478 = arith.constant 0 : i32
        %dma_start3A_479 = tpu.memref_slice %arg7[%dma_start3A_475, %dma_start3A_477, %dma_start3A_478] : memref<4x128x32xf32, #tpu.memory_space<vmem>> -> memref<1x128x32xf32, #tpu.memory_space<vmem>>
        %dma_start3A_480 = tpu.memref_squeeze %dma_start3A_479 : memref<1x128x32xf32, #tpu.memory_space<vmem>> -> memref<128x32xf32, #tpu.memory_space<vmem>>
        %dma_start3A_481 = arith.constant 0 : i32
        %dma_start3A_482 = tpu.memref_slice %arg6[%add3A_474, %dma_start3A_481] : memref<104x128xi32, #tpu.memory_space<vmem>> -> memref<1x128xi32, #tpu.memory_space<vmem>>
        %dma_start3A_483 = tpu.memref_squeeze %dma_start3A_482 : memref<1x128xi32, #tpu.memory_space<vmem>> -> memref<128xi32, #tpu.memory_space<vmem>>
        %dma_start3A_484 = arith.constant 0 : i32
        %dma_start3A_485 = arith.constant 0 : i32
        %dma_start3A_486 = tpu.memref_slice %arg3[%dma_start3A_484, %dma_start3A_485] : memref<1000000x32xf32, #tpu.memory_space<hbm>> -> memref<1000000x32xf32, #tpu.memory_space<hbm>>
        %dma_start3A_487 = tpu.memref_slice %arg10[%dma_start3A_476] : memref<4x!tpu.dma_semaphore, #tpu.memory_space<semaphore_mem>> -> memref<1x!tpu.dma_semaphore, #tpu.memory_space<semaphore_mem>>
        %dma_start3A_488 = tpu.memref_squeeze %dma_start3A_487 : memref<1x!tpu.dma_semaphore, #tpu.memory_space<semaphore_mem>> -> memref<!tpu.dma_semaphore, #tpu.memory_space<semaphore_mem>>
        tpu.enqueue_indirect_dma source(%dma_start3A_486 : memref<1000000x32xf32, #tpu.memory_space<hbm>>) target(%dma_start3A_480 : memref<128x32xf32, #tpu.memory_space<vmem>>) offsets(%dma_start3A_483 : memref<128xi32, #tpu.memory_space<vmem>>) semaphore(%dma_start3A_488 : memref<!tpu.dma_semaphore, #tpu.memory_space<semaphore_mem>>)
        %add3A_489 = arith.constant 4 : i32
        %add3A_490 = arith.addi %add3A_338, %add3A_489 : i32
        %dma_start3A_491 = arith.constant 2 : i32
        %dma_start3A_492 = arith.constant 2 : i32
        %dma_start3A_493 = arith.constant 0 : i32
        %dma_start3A_494 = arith.constant 0 : i32
        %dma_start3A_495 = tpu.memref_slice %arg8[%dma_start3A_491, %dma_start3A_493, %dma_start3A_494] : memref<4x128x32xf32, #tpu.memory_space<vmem>> -> memref<1x128x32xf32, #tpu.memory_space<vmem>>
        %dma_start3A_496 = tpu.memref_squeeze %dma_start3A_495 : memref<1x128x32xf32, #tpu.memory_space<vmem>> -> memref<128x32xf32, #tpu.memory_space<vmem>>
        %dma_start3A_497 = arith.constant 0 : i32
        %dma_start3A_498 = tpu.memref_slice %arg6[%add3A_490, %dma_start3A_497] : memref<104x128xi32, #tpu.memory_space<vmem>> -> memref<1x128xi32, #tpu.memory_space<vmem>>
        %dma_start3A_499 = tpu.memref_squeeze %dma_start3A_498 : memref<1x128xi32, #tpu.memory_space<vmem>> -> memref<128xi32, #tpu.memory_space<vmem>>
        %dma_start3A_500 = arith.constant 0 : i32
        %dma_start3A_501 = arith.constant 0 : i32
        %dma_start3A_502 = tpu.memref_slice %arg4[%dma_start3A_500, %dma_start3A_501] : memref<1000000x32xf32, #tpu.memory_space<hbm>> -> memref<1000000x32xf32, #tpu.memory_space<hbm>>
        %dma_start3A_503 = tpu.memref_slice %arg10[%dma_start3A_492] : memref<4x!tpu.dma_semaphore, #tpu.memory_space<semaphore_mem>> -> memref<1x!tpu.dma_semaphore, #tpu.memory_space<semaphore_mem>>
        %dma_start3A_504 = tpu.memref_squeeze %dma_start3A_503 : memref<1x!tpu.dma_semaphore, #tpu.memory_space<semaphore_mem>> -> memref<!tpu.dma_semaphore, #tpu.memory_space<semaphore_mem>>
        tpu.enqueue_indirect_dma source(%dma_start3A_502 : memref<1000000x32xf32, #tpu.memory_space<hbm>>) target(%dma_start3A_496 : memref<128x32xf32, #tpu.memory_space<vmem>>) offsets(%dma_start3A_499 : memref<128xi32, #tpu.memory_space<vmem>>) semaphore(%dma_start3A_504 : memref<!tpu.dma_semaphore, #tpu.memory_space<semaphore_mem>>)
      } else {
      }
      %mul3A_385 = arith.constant 128 : i32
      %mul3A_386 = arith.muli %add3A_338, %mul3A_385 : i32
      %add3A_387 = arith.addi %mul3A_4, %mul3A_386 : i32
      %dma_start3A_388 = arith.constant 2 : i32
      %dma_start3A_389 = arith.constant 2 : i32
      %dma_start3A_390 = arith.constant 0 : i32
      %dma_start3A_391 = arith.constant 0 : i32
      %dma_start3A_392 = tpu.memref_slice %arg9[%dma_start3A_388, %dma_start3A_390, %dma_start3A_391] : memref<4x128x32xf32, #tpu.memory_space<vmem>> -> memref<1x128x32xf32, #tpu.memory_space<vmem>>
      %dma_start3A_393 = tpu.memref_squeeze %dma_start3A_392 : memref<1x128x32xf32, #tpu.memory_space<vmem>> -> memref<128x32xf32, #tpu.memory_space<vmem>>
      %dma_start3A_394 = arith.constant 0 : i32
      %dma_start3A_395 = tpu.memref_slice %arg5[%add3A_387, %dma_start3A_394] : memref<425984x32xf32, #tpu.memory_space<hbm>> -> memref<128x32xf32, #tpu.memory_space<hbm>>
      %dma_start3A_396 = tpu.memref_slice %arg11[%dma_start3A_389] : memref<4x!tpu.dma_semaphore, #tpu.memory_space<semaphore_mem>> -> memref<1x!tpu.dma_semaphore, #tpu.memory_space<semaphore_mem>>
      %dma_start3A_397 = tpu.memref_squeeze %dma_start3A_396 : memref<1x!tpu.dma_semaphore, #tpu.memory_space<semaphore_mem>> -> memref<!tpu.dma_semaphore, #tpu.memory_space<semaphore_mem>>
      %dma_start3A_398 = arith.constant 0 : i32
      %dma_start3A_399 = tpu.memref_slice %arg5[%add3A_387, %dma_start3A_398] : memref<425984x32xf32, #tpu.memory_space<hbm>> -> memref<128x32xf32, #tpu.memory_space<hbm>>
      %dma_start3A_400 = arith.constant 0 : i32
      %dma_start3A_401 = arith.constant 0 : i32
      %dma_start3A_402 = tpu.memref_slice %arg9[%dma_start3A_388, %dma_start3A_400, %dma_start3A_401] : memref<4x128x32xf32, #tpu.memory_space<vmem>> -> memref<1x128x32xf32, #tpu.memory_space<vmem>>
      %dma_start3A_403 = tpu.memref_squeeze %dma_start3A_402 : memref<1x128x32xf32, #tpu.memory_space<vmem>> -> memref<128x32xf32, #tpu.memory_space<vmem>>
      tpu.enqueue_dma source(%dma_start3A_403 : memref<128x32xf32, #tpu.memory_space<vmem>>) target(%dma_start3A_399 : memref<128x32xf32, #tpu.memory_space<hbm>>) target_semaphore(%dma_start3A_397 : memref<!tpu.dma_semaphore, #tpu.memory_space<semaphore_mem>>)
      %mul3A_404 = arith.constant 4 : i32
      %mul3A_405 = arith.muli %scan3A_200, %mul3A_404 : i32
      %add3A_406 = arith.constant 3 : i32
      %add3A_407 = arith.addi %mul3A_405, %add3A_406 : i32
      %dma_wait3A_408 = arith.constant 3 : i32
      %dma_wait3A_409 = arith.constant 3 : i32
      %dma_wait3A_410 = arith.constant 0 : i32
      %dma_wait3A_411 = arith.constant 0 : i32
      %dma_wait3A_412 = tpu.memref_slice %arg7[%dma_wait3A_408, %dma_wait3A_410, %dma_wait3A_411] : memref<4x128x32xf32, #tpu.memory_space<vmem>> -> memref<1x128x32xf32, #tpu.memory_space<vmem>>
      %dma_wait3A_413 = tpu.memref_squeeze %dma_wait3A_412 : memref<1x128x32xf32, #tpu.memory_space<vmem>> -> memref<128x32xf32, #tpu.memory_space<vmem>>
      %dma_wait3A_414 = arith.constant 0 : i32
      %dma_wait3A_415 = tpu.memref_slice %arg6[%add3A_407, %dma_wait3A_414] : memref<104x128xi32, #tpu.memory_space<vmem>> -> memref<1x128xi32, #tpu.memory_space<vmem>>
      %dma_wait3A_416 = tpu.memref_squeeze %dma_wait3A_415 : memref<1x128xi32, #tpu.memory_space<vmem>> -> memref<128xi32, #tpu.memory_space<vmem>>
      %dma_wait3A_417 = arith.constant 0 : i32
      %dma_wait3A_418 = arith.constant 0 : i32
      %dma_wait3A_419 = tpu.memref_slice %arg3[%dma_wait3A_417, %dma_wait3A_418] : memref<1000000x32xf32, #tpu.memory_space<hbm>> -> memref<1000000x32xf32, #tpu.memory_space<hbm>>
      %dma_wait3A_420 = tpu.memref_slice %arg10[%dma_wait3A_409] : memref<4x!tpu.dma_semaphore, #tpu.memory_space<semaphore_mem>> -> memref<1x!tpu.dma_semaphore, #tpu.memory_space<semaphore_mem>>
      %dma_wait3A_421 = tpu.memref_squeeze %dma_wait3A_420 : memref<1x!tpu.dma_semaphore, #tpu.memory_space<semaphore_mem>> -> memref<!tpu.dma_semaphore, #tpu.memory_space<semaphore_mem>>
      tpu.wait_indirect_dma semaphore(%dma_wait3A_421 : memref<!tpu.dma_semaphore, #tpu.memory_space<semaphore_mem>>) src(%dma_wait3A_419 : memref<1000000x32xf32, #tpu.memory_space<hbm>>) dst(%dma_wait3A_413 : memref<128x32xf32, #tpu.memory_space<vmem>>)
      %dma_wait3A_422 = arith.constant 3 : i32
      %dma_wait3A_423 = arith.constant 3 : i32
      %dma_wait3A_424 = arith.constant 0 : i32
      %dma_wait3A_425 = arith.constant 0 : i32
      %dma_wait3A_426 = tpu.memref_slice %arg8[%dma_wait3A_422, %dma_wait3A_424, %dma_wait3A_425] : memref<4x128x32xf32, #tpu.memory_space<vmem>> -> memref<1x128x32xf32, #tpu.memory_space<vmem>>
      %dma_wait3A_427 = tpu.memref_squeeze %dma_wait3A_426 : memref<1x128x32xf32, #tpu.memory_space<vmem>> -> memref<128x32xf32, #tpu.memory_space<vmem>>
      %dma_wait3A_428 = arith.constant 0 : i32
      %dma_wait3A_429 = tpu.memref_slice %arg6[%add3A_407, %dma_wait3A_428] : memref<104x128xi32, #tpu.memory_space<vmem>> -> memref<1x128xi32, #tpu.memory_space<vmem>>
      %dma_wait3A_430 = tpu.memref_squeeze %dma_wait3A_429 : memref<1x128xi32, #tpu.memory_space<vmem>> -> memref<128xi32, #tpu.memory_space<vmem>>
      %dma_wait3A_431 = arith.constant 0 : i32
      %dma_wait3A_432 = arith.constant 0 : i32
      %dma_wait3A_433 = tpu.memref_slice %arg3[%dma_wait3A_431, %dma_wait3A_432] : memref<1000000x32xf32, #tpu.memory_space<hbm>> -> memref<1000000x32xf32, #tpu.memory_space<hbm>>
      %dma_wait3A_434 = tpu.memref_slice %arg10[%dma_wait3A_423] : memref<4x!tpu.dma_semaphore, #tpu.memory_space<semaphore_mem>> -> memref<1x!tpu.dma_semaphore, #tpu.memory_space<semaphore_mem>>
      %dma_wait3A_435 = tpu.memref_squeeze %dma_wait3A_434 : memref<1x!tpu.dma_semaphore, #tpu.memory_space<semaphore_mem>> -> memref<!tpu.dma_semaphore, #tpu.memory_space<semaphore_mem>>
      tpu.wait_indirect_dma semaphore(%dma_wait3A_435 : memref<!tpu.dma_semaphore, #tpu.memory_space<semaphore_mem>>) src(%dma_wait3A_433 : memref<1000000x32xf32, #tpu.memory_space<hbm>>) dst(%dma_wait3A_427 : memref<128x32xf32, #tpu.memory_space<vmem>>)
      %gt3A_436 = arith.constant 0 : i32
      %gt3A_437 = arith.cmpi sgt, %scan3A_200, %gt3A_436 : i32
      %convert_element_type3A_438 = arith.extui %gt3A_437 : i1 to i32
      %cond3A_439 = arith.constant 0 : i32
      %cond3A_440 = arith.cmpi ne, %convert_element_type3A_438, %cond3A_439 : i32
      scf.if %cond3A_440 {
        %dma_wait3A_473 = arith.constant 3 : i32
        %dma_wait3A_474 = arith.constant 3 : i32
        %dma_wait3A_475 = arith.constant 0 : i32
        %dma_wait3A_476 = arith.constant 0 : i32
        %dma_wait3A_477 = tpu.memref_slice %arg9[%dma_wait3A_473, %dma_wait3A_475, %dma_wait3A_476] : memref<4x128x32xf32, #tpu.memory_space<vmem>> -> memref<1x128x32xf32, #tpu.memory_space<vmem>>
        %dma_wait3A_478 = tpu.memref_squeeze %dma_wait3A_477 : memref<1x128x32xf32, #tpu.memory_space<vmem>> -> memref<128x32xf32, #tpu.memory_space<vmem>>
        %dma_wait3A_479 = arith.constant 0 : i32
        %dma_wait3A_480 = arith.constant 0 : i32
        %dma_wait3A_481 = tpu.memref_slice %arg5[%dma_wait3A_479, %dma_wait3A_480] : memref<425984x32xf32, #tpu.memory_space<hbm>> -> memref<128x32xf32, #tpu.memory_space<hbm>>
        %dma_wait3A_482 = tpu.memref_slice %arg11[%dma_wait3A_474] : memref<4x!tpu.dma_semaphore, #tpu.memory_space<semaphore_mem>> -> memref<1x!tpu.dma_semaphore, #tpu.memory_space<semaphore_mem>>
        %dma_wait3A_483 = tpu.memref_squeeze %dma_wait3A_482 : memref<1x!tpu.dma_semaphore, #tpu.memory_space<semaphore_mem>> -> memref<!tpu.dma_semaphore, #tpu.memory_space<semaphore_mem>>
        %dma_wait3A_484 = arith.constant 0 : i32
        %dma_wait3A_485 = arith.constant 0 : i32
        %dma_wait3A_486 = tpu.memref_slice %arg5[%dma_wait3A_484, %dma_wait3A_485] : memref<425984x32xf32, #tpu.memory_space<hbm>> -> memref<128x32xf32, #tpu.memory_space<hbm>>
        %dma_wait3A_487 = arith.constant 0 : i32
        %dma_wait3A_488 = arith.constant 0 : i32
        %dma_wait3A_489 = tpu.memref_slice %arg9[%dma_wait3A_473, %dma_wait3A_487, %dma_wait3A_488] : memref<4x128x32xf32, #tpu.memory_space<vmem>> -> memref<1x128x32xf32, #tpu.memory_space<vmem>>
        %dma_wait3A_490 = tpu.memref_squeeze %dma_wait3A_489 : memref<1x128x32xf32, #tpu.memory_space<vmem>> -> memref<128x32xf32, #tpu.memory_space<vmem>>
        tpu.wait_dma2 semaphore(%dma_wait3A_483 : memref<!tpu.dma_semaphore, #tpu.memory_space<semaphore_mem>>) src(%dma_wait3A_490 : memref<128x32xf32, #tpu.memory_space<vmem>>) dst(%dma_wait3A_486 : memref<128x32xf32, #tpu.memory_space<hbm>>)
      } else {
      }
      %scan3A_441 = arith.constant 0 : i32
      %scan3A_442 = arith.constant 0 : i32
      %scan3A_443 = arith.constant 128 : i32
      %scan3A_444 = arith.addi %scan3A_442, %scan3A_443 : i32
      %scan3A_445 = arith.constant 1 : i32
      scf.for %scan3A_473 = %scan3A_442 to %scan3A_444 step %scan3A_445  : i32 {
        %get3A = arith.constant 3 : i32
        %get3A_474 = arith.index_cast %get3A : i32 to index
        %get3A_475 = arith.index_cast %scan3A_473 : i32 to index
        %get3A_476 = arith.constant 0 : index
        %get3A_477 = tpu.vector_load %arg7[%get3A_474, %get3A_475, %get3A_476] {strides = array<i32>} : memref<4x128x32xf32, #tpu.memory_space<vmem>>, vector<1x1x16xf32>,
        %get3A_478 = vector.shape_cast %get3A_477 : vector<1x1x16xf32> to vector<16xf32>
        %get3A_479 = arith.constant 3 : i32
        %get3A_480 = arith.index_cast %get3A_479 : i32 to index
        %get3A_481 = arith.index_cast %scan3A_473 : i32 to index
        %get3A_482 = arith.constant 0 : index
        %get3A_483 = tpu.vector_load %arg8[%get3A_480, %get3A_481, %get3A_482] {strides = array<i32>} : memref<4x128x32xf32, #tpu.memory_space<vmem>>, vector<1x1x16xf32>,
        %get3A_484 = vector.shape_cast %get3A_483 : vector<1x1x16xf32> to vector<16xf32>
        %add3A_485 = arith.addf %get3A_478, %get3A_484 : vector<16xf32>
        %swap3A = arith.constant 3 : i32
        %swap3A_486 = arith.index_cast %swap3A : i32 to index
        %swap3A_487 = arith.index_cast %scan3A_473 : i32 to index
        %swap3A_488 = arith.constant 0 : index
        %swap3A_489 = tpu.vector_load %arg9[%swap3A_486, %swap3A_487, %swap3A_488] {strides = array<i32>} : memref<4x128x32xf32, #tpu.memory_space<vmem>>, vector<1x1x16xf32>,
        %swap3A_490 = vector.shape_cast %swap3A_489 : vector<1x1x16xf32> to vector<16xf32>
        %swap3A_491 = vector.shape_cast %add3A_485 : vector<16xf32> to vector<1x1x16xf32>
        tpu.vector_store %arg9[%swap3A_486, %swap3A_487, %swap3A_488], %swap3A_491 {strides = array<i32>} : memref<4x128x32xf32, #tpu.memory_space<vmem>>, vector<1x1x16xf32>,
        %get3A_492 = arith.constant 3 : i32
        %get3A_493 = arith.index_cast %get3A_492 : i32 to index
        %get3A_494 = arith.index_cast %scan3A_473 : i32 to index
        %get3A_495 = arith.constant 16 : index
        %get3A_496 = tpu.vector_load %arg7[%get3A_493, %get3A_494, %get3A_495] {strides = array<i32>} : memref<4x128x32xf32, #tpu.memory_space<vmem>>, vector<1x1x16xf32>,
        %get3A_497 = vector.shape_cast %get3A_496 : vector<1x1x16xf32> to vector<16xf32>
        %get3A_498 = arith.constant 3 : i32
        %get3A_499 = arith.index_cast %get3A_498 : i32 to index
        %get3A_500 = arith.index_cast %scan3A_473 : i32 to index
        %get3A_501 = arith.constant 16 : index
        %get3A_502 = tpu.vector_load %arg8[%get3A_499, %get3A_500, %get3A_501] {strides = array<i32>} : memref<4x128x32xf32, #tpu.memory_space<vmem>>, vector<1x1x16xf32>,
        %get3A_503 = vector.shape_cast %get3A_502 : vector<1x1x16xf32> to vector<16xf32>
        %add3A_504 = arith.addf %get3A_497, %get3A_503 : vector<16xf32>
        %swap3A_505 = arith.constant 3 : i32
        %swap3A_506 = arith.index_cast %swap3A_505 : i32 to index
        %swap3A_507 = arith.index_cast %scan3A_473 : i32 to index
        %swap3A_508 = arith.constant 16 : index
        %swap3A_509 = tpu.vector_load %arg9[%swap3A_506, %swap3A_507, %swap3A_508] {strides = array<i32>} : memref<4x128x32xf32, #tpu.memory_space<vmem>>, vector<1x1x16xf32>,
        %swap3A_510 = vector.shape_cast %swap3A_509 : vector<1x1x16xf32> to vector<16xf32>
        %swap3A_511 = vector.shape_cast %add3A_504 : vector<16xf32> to vector<1x1x16xf32>
        tpu.vector_store %arg9[%swap3A_506, %swap3A_507, %swap3A_508], %swap3A_511 {strides = array<i32>} : memref<4x128x32xf32, #tpu.memory_space<vmem>>, vector<1x1x16xf32>,
      }
      %scan3A_446 = arith.constant 128 : i32
      %add3A_447 = arith.constant 4 : i32
      %add3A_448 = arith.addi %add3A_407, %add3A_447 : i32
      %lt3A_449 = arith.constant 104 : i32
      %lt3A_450 = arith.cmpi slt, %add3A_448, %lt3A_449 : i32
      %convert_element_type3A_451 = arith.extui %lt3A_450 : i1 to i32
      %cond3A_452 = arith.constant 0 : i32
      %cond3A_453 = arith.cmpi ne, %convert_element_type3A_451, %cond3A_452 : i32
      scf.if %cond3A_453 {
        %add3A_473 = arith.constant 4 : i32
        %add3A_474 = arith.addi %add3A_407, %add3A_473 : i32
        %dma_start3A_475 = arith.constant 3 : i32
        %dma_start3A_476 = arith.constant 3 : i32
        %dma_start3A_477 = arith.constant 0 : i32
        %dma_start3A_478 = arith.constant 0 : i32
        %dma_start3A_479 = tpu.memref_slice %arg7[%dma_start3A_475, %dma_start3A_477, %dma_start3A_478] : memref<4x128x32xf32, #tpu.memory_space<vmem>> -> memref<1x128x32xf32, #tpu.memory_space<vmem>>
        %dma_start3A_480 = tpu.memref_squeeze %dma_start3A_479 : memref<1x128x32xf32, #tpu.memory_space<vmem>> -> memref<128x32xf32, #tpu.memory_space<vmem>>
        %dma_start3A_481 = arith.constant 0 : i32
        %dma_start3A_482 = tpu.memref_slice %arg6[%add3A_474, %dma_start3A_481] : memref<104x128xi32, #tpu.memory_space<vmem>> -> memref<1x128xi32, #tpu.memory_space<vmem>>
        %dma_start3A_483 = tpu.memref_squeeze %dma_start3A_482 : memref<1x128xi32, #tpu.memory_space<vmem>> -> memref<128xi32, #tpu.memory_space<vmem>>
        %dma_start3A_484 = arith.constant 0 : i32
        %dma_start3A_485 = arith.constant 0 : i32
        %dma_start3A_486 = tpu.memref_slice %arg3[%dma_start3A_484, %dma_start3A_485] : memref<1000000x32xf32, #tpu.memory_space<hbm>> -> memref<1000000x32xf32, #tpu.memory_space<hbm>>
        %dma_start3A_487 = tpu.memref_slice %arg10[%dma_start3A_476] : memref<4x!tpu.dma_semaphore, #tpu.memory_space<semaphore_mem>> -> memref<1x!tpu.dma_semaphore, #tpu.memory_space<semaphore_mem>>
        %dma_start3A_488 = tpu.memref_squeeze %dma_start3A_487 : memref<1x!tpu.dma_semaphore, #tpu.memory_space<semaphore_mem>> -> memref<!tpu.dma_semaphore, #tpu.memory_space<semaphore_mem>>
        tpu.enqueue_indirect_dma source(%dma_start3A_486 : memref<1000000x32xf32, #tpu.memory_space<hbm>>) target(%dma_start3A_480 : memref<128x32xf32, #tpu.memory_space<vmem>>) offsets(%dma_start3A_483 : memref<128xi32, #tpu.memory_space<vmem>>) semaphore(%dma_start3A_488 : memref<!tpu.dma_semaphore, #tpu.memory_space<semaphore_mem>>)
        %add3A_489 = arith.constant 4 : i32
        %add3A_490 = arith.addi %add3A_407, %add3A_489 : i32
        %dma_start3A_491 = arith.constant 3 : i32
        %dma_start3A_492 = arith.constant 3 : i32
        %dma_start3A_493 = arith.constant 0 : i32
        %dma_start3A_494 = arith.constant 0 : i32
        %dma_start3A_495 = tpu.memref_slice %arg8[%dma_start3A_491, %dma_start3A_493, %dma_start3A_494] : memref<4x128x32xf32, #tpu.memory_space<vmem>> -> memref<1x128x32xf32, #tpu.memory_space<vmem>>
        %dma_start3A_496 = tpu.memref_squeeze %dma_start3A_495 : memref<1x128x32xf32, #tpu.memory_space<vmem>> -> memref<128x32xf32, #tpu.memory_space<vmem>>
        %dma_start3A_497 = arith.constant 0 : i32
        %dma_start3A_498 = tpu.memref_slice %arg6[%add3A_490, %dma_start3A_497] : memref<104x128xi32, #tpu.memory_space<vmem>> -> memref<1x128xi32, #tpu.memory_space<vmem>>
        %dma_start3A_499 = tpu.memref_squeeze %dma_start3A_498 : memref<1x128xi32, #tpu.memory_space<vmem>> -> memref<128xi32, #tpu.memory_space<vmem>>
        %dma_start3A_500 = arith.constant 0 : i32
        %dma_start3A_501 = arith.constant 0 : i32
        %dma_start3A_502 = tpu.memref_slice %arg4[%dma_start3A_500, %dma_start3A_501] : memref<1000000x32xf32, #tpu.memory_space<hbm>> -> memref<1000000x32xf32, #tpu.memory_space<hbm>>
        %dma_start3A_503 = tpu.memref_slice %arg10[%dma_start3A_492] : memref<4x!tpu.dma_semaphore, #tpu.memory_space<semaphore_mem>> -> memref<1x!tpu.dma_semaphore, #tpu.memory_space<semaphore_mem>>
        %dma_start3A_504 = tpu.memref_squeeze %dma_start3A_503 : memref<1x!tpu.dma_semaphore, #tpu.memory_space<semaphore_mem>> -> memref<!tpu.dma_semaphore, #tpu.memory_space<semaphore_mem>>
        tpu.enqueue_indirect_dma source(%dma_start3A_502 : memref<1000000x32xf32, #tpu.memory_space<hbm>>) target(%dma_start3A_496 : memref<128x32xf32, #tpu.memory_space<vmem>>) offsets(%dma_start3A_499 : memref<128xi32, #tpu.memory_space<vmem>>) semaphore(%dma_start3A_504 : memref<!tpu.dma_semaphore, #tpu.memory_space<semaphore_mem>>)
      } else {
      }
      %mul3A_454 = arith.constant 128 : i32
      %mul3A_455 = arith.muli %add3A_407, %mul3A_454 : i32
      %add3A_456 = arith.addi %mul3A_4, %mul3A_455 : i32
      %dma_start3A_457 = arith.constant 3 : i32
      %dma_start3A_458 = arith.constant 3 : i32
      %dma_start3A_459 = arith.constant 0 : i32
      %dma_start3A_460 = arith.constant 0 : i32
      %dma_start3A_461 = tpu.memref_slice %arg9[%dma_start3A_457, %dma_start3A_459, %dma_start3A_460] : memref<4x128x32xf32, #tpu.memory_space<vmem>> -> memref<1x128x32xf32, #tpu.memory_space<vmem>>
      %dma_start3A_462 = tpu.memref_squeeze %dma_start3A_461 : memref<1x128x32xf32, #tpu.memory_space<vmem>> -> memref<128x32xf32, #tpu.memory_space<vmem>>
      %dma_start3A_463 = arith.constant 0 : i32
      %dma_start3A_464 = tpu.memref_slice %arg5[%add3A_456, %dma_start3A_463] : memref<425984x32xf32, #tpu.memory_space<hbm>> -> memref<128x32xf32, #tpu.memory_space<hbm>>
      %dma_start3A_465 = tpu.memref_slice %arg11[%dma_start3A_458] : memref<4x!tpu.dma_semaphore, #tpu.memory_space<semaphore_mem>> -> memref<1x!tpu.dma_semaphore, #tpu.memory_space<semaphore_mem>>
      %dma_start3A_466 = tpu.memref_squeeze %dma_start3A_465 : memref<1x!tpu.dma_semaphore, #tpu.memory_space<semaphore_mem>> -> memref<!tpu.dma_semaphore, #tpu.memory_space<semaphore_mem>>
      %dma_start3A_467 = arith.constant 0 : i32
      %dma_start3A_468 = tpu.memref_slice %arg5[%add3A_456, %dma_start3A_467] : memref<425984x32xf32, #tpu.memory_space<hbm>> -> memref<128x32xf32, #tpu.memory_space<hbm>>
      %dma_start3A_469 = arith.constant 0 : i32
      %dma_start3A_470 = arith.constant 0 : i32
      %dma_start3A_471 = tpu.memref_slice %arg9[%dma_start3A_457, %dma_start3A_469, %dma_start3A_470] : memref<4x128x32xf32, #tpu.memory_space<vmem>> -> memref<1x128x32xf32, #tpu.memory_space<vmem>>
      %dma_start3A_472 = tpu.memref_squeeze %dma_start3A_471 : memref<1x128x32xf32, #tpu.memory_space<vmem>> -> memref<128x32xf32, #tpu.memory_space<vmem>>
      tpu.enqueue_dma source(%dma_start3A_472 : memref<128x32xf32, #tpu.memory_space<vmem>>) target(%dma_start3A_468 : memref<128x32xf32, #tpu.memory_space<hbm>>) target_semaphore(%dma_start3A_466 : memref<!tpu.dma_semaphore, #tpu.memory_space<semaphore_mem>>)
    }
    %scan3A_128 = arith.constant 26 : i32
    %dma_wait3A = arith.constant 0 : i32
    %dma_wait3A_129 = arith.constant 0 : i32
    %dma_wait3A_130 = arith.constant 0 : i32
    %dma_wait3A_131 = arith.constant 0 : i32
    %dma_wait3A_132 = tpu.memref_slice %arg9[%dma_wait3A, %dma_wait3A_130, %dma_wait3A_131] : memref<4x128x32xf32, #tpu.memory_space<vmem>> -> memref<1x128x32xf32, #tpu.memory_space<vmem>>
    %dma_wait3A_133 = tpu.memref_squeeze %dma_wait3A_132 : memref<1x128x32xf32, #tpu.memory_space<vmem>> -> memref<128x32xf32, #tpu.memory_space<vmem>>
    %dma_wait3A_134 = arith.constant 0 : i32
    %dma_wait3A_135 = arith.constant 0 : i32
    %dma_wait3A_136 = tpu.memref_slice %arg5[%dma_wait3A_134, %dma_wait3A_135] : memref<425984x32xf32, #tpu.memory_space<hbm>> -> memref<128x32xf32, #tpu.memory_space<hbm>>
    %dma_wait3A_137 = tpu.memref_slice %arg11[%dma_wait3A_129] : memref<4x!tpu.dma_semaphore, #tpu.memory_space<semaphore_mem>> -> memref<1x!tpu.dma_semaphore, #tpu.memory_space<semaphore_mem>>
    %dma_wait3A_138 = tpu.memref_squeeze %dma_wait3A_137 : memref<1x!tpu.dma_semaphore, #tpu.memory_space<semaphore_mem>> -> memref<!tpu.dma_semaphore, #tpu.memory_space<semaphore_mem>>
    %dma_wait3A_139 = arith.constant 0 : i32
    %dma_wait3A_140 = arith.constant 0 : i32
    %dma_wait3A_141 = tpu.memref_slice %arg5[%dma_wait3A_139, %dma_wait3A_140] : memref<425984x32xf32, #tpu.memory_space<hbm>> -> memref<128x32xf32, #tpu.memory_space<hbm>>
    %dma_wait3A_142 = arith.constant 0 : i32
    %dma_wait3A_143 = arith.constant 0 : i32
    %dma_wait3A_144 = tpu.memref_slice %arg9[%dma_wait3A, %dma_wait3A_142, %dma_wait3A_143] : memref<4x128x32xf32, #tpu.memory_space<vmem>> -> memref<1x128x32xf32, #tpu.memory_space<vmem>>
    %dma_wait3A_145 = tpu.memref_squeeze %dma_wait3A_144 : memref<1x128x32xf32, #tpu.memory_space<vmem>> -> memref<128x32xf32, #tpu.memory_space<vmem>>
    tpu.wait_dma2 semaphore(%dma_wait3A_138 : memref<!tpu.dma_semaphore, #tpu.memory_space<semaphore_mem>>) src(%dma_wait3A_145 : memref<128x32xf32, #tpu.memory_space<vmem>>) dst(%dma_wait3A_141 : memref<128x32xf32, #tpu.memory_space<hbm>>)
    %dma_wait3A_146 = arith.constant 1 : i32
    %dma_wait3A_147 = arith.constant 1 : i32
    %dma_wait3A_148 = arith.constant 0 : i32
    %dma_wait3A_149 = arith.constant 0 : i32
    %dma_wait3A_150 = tpu.memref_slice %arg9[%dma_wait3A_146, %dma_wait3A_148, %dma_wait3A_149] : memref<4x128x32xf32, #tpu.memory_space<vmem>> -> memref<1x128x32xf32, #tpu.memory_space<vmem>>
    %dma_wait3A_151 = tpu.memref_squeeze %dma_wait3A_150 : memref<1x128x32xf32, #tpu.memory_space<vmem>> -> memref<128x32xf32, #tpu.memory_space<vmem>>
    %dma_wait3A_152 = arith.constant 0 : i32
    %dma_wait3A_153 = arith.constant 0 : i32
    %dma_wait3A_154 = tpu.memref_slice %arg5[%dma_wait3A_152, %dma_wait3A_153] : memref<425984x32xf32, #tpu.memory_space<hbm>> -> memref<128x32xf32, #tpu.memory_space<hbm>>
    %dma_wait3A_155 = tpu.memref_slice %arg11[%dma_wait3A_147] : memref<4x!tpu.dma_semaphore, #tpu.memory_space<semaphore_mem>> -> memref<1x!tpu.dma_semaphore, #tpu.memory_space<semaphore_mem>>
    %dma_wait3A_156 = tpu.memref_squeeze %dma_wait3A_155 : memref<1x!tpu.dma_semaphore, #tpu.memory_space<semaphore_mem>> -> memref<!tpu.dma_semaphore, #tpu.memory_space<semaphore_mem>>
    %dma_wait3A_157 = arith.constant 0 : i32
    %dma_wait3A_158 = arith.constant 0 : i32
    %dma_wait3A_159 = tpu.memref_slice %arg5[%dma_wait3A_157, %dma_wait3A_158] : memref<425984x32xf32, #tpu.memory_space<hbm>> -> memref<128x32xf32, #tpu.memory_space<hbm>>
    %dma_wait3A_160 = arith.constant 0 : i32
    %dma_wait3A_161 = arith.constant 0 : i32
    %dma_wait3A_162 = tpu.memref_slice %arg9[%dma_wait3A_146, %dma_wait3A_160, %dma_wait3A_161] : memref<4x128x32xf32, #tpu.memory_space<vmem>> -> memref<1x128x32xf32, #tpu.memory_space<vmem>>
    %dma_wait3A_163 = tpu.memref_squeeze %dma_wait3A_162 : memref<1x128x32xf32, #tpu.memory_space<vmem>> -> memref<128x32xf32, #tpu.memory_space<vmem>>
    tpu.wait_dma2 semaphore(%dma_wait3A_156 : memref<!tpu.dma_semaphore, #tpu.memory_space<semaphore_mem>>) src(%dma_wait3A_163 : memref<128x32xf32, #tpu.memory_space<vmem>>) dst(%dma_wait3A_159 : memref<128x32xf32, #tpu.memory_space<hbm>>)
    %dma_wait3A_164 = arith.constant 2 : i32
    %dma_wait3A_165 = arith.constant 2 : i32
    %dma_wait3A_166 = arith.constant 0 : i32
    %dma_wait3A_167 = arith.constant 0 : i32
    %dma_wait3A_168 = tpu.memref_slice %arg9[%dma_wait3A_164, %dma_wait3A_166, %dma_wait3A_167] : memref<4x128x32xf32, #tpu.memory_space<vmem>> -> memref<1x128x32xf32, #tpu.memory_space<vmem>>
    %dma_wait3A_169 = tpu.memref_squeeze %dma_wait3A_168 : memref<1x128x32xf32, #tpu.memory_space<vmem>> -> memref<128x32xf32, #tpu.memory_space<vmem>>
    %dma_wait3A_170 = arith.constant 0 : i32
    %dma_wait3A_171 = arith.constant 0 : i32
    %dma_wait3A_172 = tpu.memref_slice %arg5[%dma_wait3A_170, %dma_wait3A_171] : memref<425984x32xf32, #tpu.memory_space<hbm>> -> memref<128x32xf32, #tpu.memory_space<hbm>>
    %dma_wait3A_173 = tpu.memref_slice %arg11[%dma_wait3A_165] : memref<4x!tpu.dma_semaphore, #tpu.memory_space<semaphore_mem>> -> memref<1x!tpu.dma_semaphore, #tpu.memory_space<semaphore_mem>>
    %dma_wait3A_174 = tpu.memref_squeeze %dma_wait3A_173 : memref<1x!tpu.dma_semaphore, #tpu.memory_space<semaphore_mem>> -> memref<!tpu.dma_semaphore, #tpu.memory_space<semaphore_mem>>
    %dma_wait3A_175 = arith.constant 0 : i32
    %dma_wait3A_176 = arith.constant 0 : i32
    %dma_wait3A_177 = tpu.memref_slice %arg5[%dma_wait3A_175, %dma_wait3A_176] : memref<425984x32xf32, #tpu.memory_space<hbm>> -> memref<128x32xf32, #tpu.memory_space<hbm>>
    %dma_wait3A_178 = arith.constant 0 : i32
    %dma_wait3A_179 = arith.constant 0 : i32
    %dma_wait3A_180 = tpu.memref_slice %arg9[%dma_wait3A_164, %dma_wait3A_178, %dma_wait3A_179] : memref<4x128x32xf32, #tpu.memory_space<vmem>> -> memref<1x128x32xf32, #tpu.memory_space<vmem>>
    %dma_wait3A_181 = tpu.memref_squeeze %dma_wait3A_180 : memref<1x128x32xf32, #tpu.memory_space<vmem>> -> memref<128x32xf32, #tpu.memory_space<vmem>>
    tpu.wait_dma2 semaphore(%dma_wait3A_174 : memref<!tpu.dma_semaphore, #tpu.memory_space<semaphore_mem>>) src(%dma_wait3A_181 : memref<128x32xf32, #tpu.memory_space<vmem>>) dst(%dma_wait3A_177 : memref<128x32xf32, #tpu.memory_space<hbm>>)
    %dma_wait3A_182 = arith.constant 3 : i32
    %dma_wait3A_183 = arith.constant 3 : i32
    %dma_wait3A_184 = arith.constant 0 : i32
    %dma_wait3A_185 = arith.constant 0 : i32
    %dma_wait3A_186 = tpu.memref_slice %arg9[%dma_wait3A_182, %dma_wait3A_184, %dma_wait3A_185] : memref<4x128x32xf32, #tpu.memory_space<vmem>> -> memref<1x128x32xf32, #tpu.memory_space<vmem>>
    %dma_wait3A_187 = tpu.memref_squeeze %dma_wait3A_186 : memref<1x128x32xf32, #tpu.memory_space<vmem>> -> memref<128x32xf32, #tpu.memory_space<vmem>>
    %dma_wait3A_188 = arith.constant 0 : i32
    %dma_wait3A_189 = arith.constant 0 : i32
    %dma_wait3A_190 = tpu.memref_slice %arg5[%dma_wait3A_188, %dma_wait3A_189] : memref<425984x32xf32, #tpu.memory_space<hbm>> -> memref<128x32xf32, #tpu.memory_space<hbm>>
    %dma_wait3A_191 = tpu.memref_slice %arg11[%dma_wait3A_183] : memref<4x!tpu.dma_semaphore, #tpu.memory_space<semaphore_mem>> -> memref<1x!tpu.dma_semaphore, #tpu.memory_space<semaphore_mem>>
    %dma_wait3A_192 = tpu.memref_squeeze %dma_wait3A_191 : memref<1x!tpu.dma_semaphore, #tpu.memory_space<semaphore_mem>> -> memref<!tpu.dma_semaphore, #tpu.memory_space<semaphore_mem>>
    %dma_wait3A_193 = arith.constant 0 : i32
    %dma_wait3A_194 = arith.constant 0 : i32
    %dma_wait3A_195 = tpu.memref_slice %arg5[%dma_wait3A_193, %dma_wait3A_194] : memref<425984x32xf32, #tpu.memory_space<hbm>> -> memref<128x32xf32, #tpu.memory_space<hbm>>
    %dma_wait3A_196 = arith.constant 0 : i32
    %dma_wait3A_197 = arith.constant 0 : i32
    %dma_wait3A_198 = tpu.memref_slice %arg9[%dma_wait3A_182, %dma_wait3A_196, %dma_wait3A_197] : memref<4x128x32xf32, #tpu.memory_space<vmem>> -> memref<1x128x32xf32, #tpu.memory_space<vmem>>
    %dma_wait3A_199 = tpu.memref_squeeze %dma_wait3A_198 : memref<1x128x32xf32, #tpu.memory_space<vmem>> -> memref<128x32xf32, #tpu.memory_space<vmem>>
    tpu.wait_dma2 semaphore(%dma_wait3A_192 : memref<!tpu.dma_semaphore, #tpu.memory_space<semaphore_mem>>) src(%dma_wait3A_199 : memref<128x32xf32, #tpu.memory_space<vmem>>) dst(%dma_wait3A_195 : memref<128x32xf32, #tpu.memory_space<hbm>>)
    return
  }
}

</mosaic_0001>

<sc_bundles>
// kernel: _embed_sum.3.cloned.1.call-start
scs
__scs_entry_jumppad:
0x0: {  	(pc) =	sbr.rel $0x88, $3  }
0x1: {  	(tag) =	ssettag $0x0;
	lr =	simm.s32 $0x1  }
0x2: {  	[smem:$0x3F9E] =	sst lr;
	_ =	strace $0xD0000000  }
0x3: {  	_ = 	snop  }
0x4: {  	_ = 	snop  }
0x5: {  	_ = 	snop  }
0x6: {  	_ = 	snop  }
0x7: {  	_ = 	snop  }
__scs_overlays_trampoline_lowered:
0x8: {  	[smem:$0x3FAD] =	sst s0  }
0x9: {  	[smem:$0x3FAE] =	sst s1  }
0xa: {  	[smem:$0x3FAF] =	sst s2  }
0xb: {  	[smem:$0x3FB0] =	sst s3  }
0xc: {  	[smem:$0x3FB1] =	sst s4  }
0xd: {  	[smem:$0x3FB2] =	sst s5  }
0xe: {  	[smem:$0x3FB3] =	sst s6  }
0xf: {  	[smem:$0x3FB4] =	sst s7  }
0x10: {  	[smem:$0x3FB5] =	sst s8  }
0x11: {  	[smem:$0x3FB6] =	sst s9;
	s0 =	simm.s32 @!p0 $0x0  }
0x12: {  	s1 =	sld [smem:$0x3F9C];
	s0 =	simm.s32 @p0 $0x1  }
0x13: {  	[smem:$0x3FB7] =	sst s0;
	s0 =	simm.s32 @!p1 $0x0  }
0x14: {  	s2 =	sld [smem:$0x3F9B];
	s0 =	simm.s32 @p1 $0x1  }
0x15: {  	[smem:$0x3FB8] =	sst s0;
	s0 =	simm.s32 @!p2 $0x0  }
0x16: {  	s3 =	sld [smem:$0x3FDB];
	s0 =	simm.s32 @p2 $0x1  }
0x17: {  	s4 =	simm.s32 $0x1BF5;
	[smem:$0x3FBA] =	sst s0  }
0x18: {  	s0 =	sld [smem:$0x3F9D];
	_ =	swait.ge [sflag:s4], $0x0  }
0x19: {  	s7 =	sld [smem:$0x3F9E]  }
0x1a: {  	s8 =	sadd.s32 $0xFFFFE003, lr  }
0x1b: {  	s9 =	sadd.s32 $0xFFFFFEF7, lr;
	s5 =	simm.s32 $0xFFFFFFFF;
	p2 =	slt.u32 s8, $0xFFFFF086  }
0x1c: {  	p1 =	slt.u32 s9, $0xF7A;
	s5 =	simm.s32 @!p2 $0x0  }
0x1d: {  	s5 =	simm.s32 @p1 $0x1;
	p0 =	seq.s32 s7, s2  }
0x1e: {  	s7 =	smul.u32 @!p0 $0xF7A, s2;
	p2 =	seq.s32 @!p0 s5, $0x0  }
0x1f: {  	s9 =	smul.u32 $0xF7A, s1;
	s8 =	simm.s32 @!p0 $0x1BF5;
	p2 =	por !p2, p0  }
0x20: {  	[sflag:s8] =	ssyncset.s32 @!p0 $0xFFFFF086;
	s6 =	sadd.s32 @!p0 s3, s7;
	s7 =	simm.s32 @!p0 $0x108  }
0x21: {  	s3 =	sadd.s32 s3, s9;
	s6 =	sadd.s32 @!p0 $0x88, s6;
	s7 =	simm.s32 @p2 $0x1082  }
0x22: {  	[simem:s7], [sflag:s8] =	dma.local @!p0 [hbm:s6], $0xF7A  }
0x23: {  	s9 =	sor.u32 $0xD0000000, s2;
	s6 =	simm.s32 $0x108;
	_ =	swait.ge @!p0 [sflag:s8], $0x0  }
0x24: {  	s3 =	sadd.s32 $0x88, s3;
	s6 =	simm.s32 @!p1 $0x1082;
	[sflag:s4] =	ssyncset.s32 $0xFFFFF086  }
0x25: {  	[simem:s6], [sflag:s4] =	dma.local [hbm:s3], $0xF7A  }
0x26: {  	[smem:$0x3F9E] =	sst s1;
	(tag) =	ssettag s2;
	_ =	strace s9  }
0x27: {  	s1 =	sld [smem:$0x3FAE]  }
0x28: {  	s2 =	sld [smem:$0x3FAF]  }
0x29: {  	s4 =	sld [smem:$0x3FB1]  }
0x2a: {  	p0 =	seq.s32 s5, $0x0;
	s5 =	sld [smem:$0x3FB2]  }
0x2b: {  	s6 =	sld [smem:$0x3FB3]  }
0x2c: {  	s7 =	sld [smem:$0x3FB4]  }
0x2d: {  	s3 =	simm.s32 $0x108;
	s8 =	sld [smem:$0x3FB5]  }
0x2e: {  	s3 =	simm.s32 @!p0 $0x1082;
	s9 =	sld [smem:$0x3FB6]  }
0x2f: {  	lr =	sadd.s32 s0, s3;
	s0 =	sld [smem:$0x3FAD]  }
0x30: {  	s3 =	sld [smem:$0x3FB0]  }
0x31: {  	[smem:$0x3FB9] =	sst s10  }
0x32: {  	s10 =	sld [smem:$0x3FB7];
	_ =	sdelay $0x3  }
0x33: {  	p0 =	seq.s32 s10, $0x1;
	s10 =	sld [smem:$0x3FB9];
	_ =	sdelay $0x3  }
0x34: {  	[smem:$0x3FB9] =	sst s10  }
0x35: {  	s10 =	sld [smem:$0x3FB8];
	_ =	sdelay $0x3  }
0x36: {  	p1 =	seq.s32 s10, $0x1;
	s10 =	sld [smem:$0x3FB9];
	_ =	sdelay $0x3  }
0x37: {  	[smem:$0x3FB9] =	sst s10  }
0x38: {  	s10 =	sld [smem:$0x3FBA]  }
0x39: {  	_ = 	snop;
	(pc) =	sbr.ind lr, $3  }
0x3a: {  	_ = 	snop  }
0x3b: {  	_ = 	snop  }
0x3c: {  	p2 =	seq.s32 s10, $0x1;
	s10 =	sld [smem:$0x3FB9]  }
0x3d: {  	_ =	shalt  }
0x3e: {  	_ =	shalt  }
0x3f: {  	_ =	shalt  }
0x40: {  	_ =	shalt  }
0x41: {  	_ =	shalt  }
0x42: {  	_ =	shalt  }
0x43: {  	_ =	shalt  }
0x44: {  	_ =	shalt  }
0x45: {  	_ =	shalt  }
0x46: {  	_ =	shalt  }
0x47: {  	_ =	shalt  }
0x48: {  	_ =	shalt  }
0x49: {  	_ =	shalt  }
0x4a: {  	_ =	shalt  }
0x4b: {  	_ =	shalt  }
0x4c: {  	_ =	shalt  }
0x4d: {  	_ =	shalt  }
0x4e: {  	_ =	shalt  }
0x4f: {  	_ =	shalt  }
0x50: {  	_ =	shalt  }
0x51: {  	_ =	shalt  }
0x52: {  	_ =	shalt  }
0x53: {  	_ =	shalt  }
0x54: {  	_ =	shalt  }
0x55: {  	_ =	shalt  }
0x56: {  	_ =	shalt  }
0x57: {  	_ =	shalt  }
0x58: {  	_ =	shalt  }
0x59: {  	_ =	shalt  }
0x5a: {  	_ =	shalt  }
0x5b: {  	_ =	shalt  }
0x5c: {  	_ =	shalt  }
0x5d: {  	_ =	shalt  }
0x5e: {  	_ =	shalt  }
0x5f: {  	_ =	shalt  }
0x60: {  	_ =	shalt  }
0x61: {  	_ =	shalt  }
0x62: {  	_ =	shalt  }
0x63: {  	_ =	shalt  }
0x64: {  	_ =	shalt  }
0x65: {  	_ =	shalt  }
0x66: {  	_ =	shalt  }
0x67: {  	_ =	shalt  }
0x68: {  	_ =	shalt  }
0x69: {  	_ =	shalt  }
0x6a: {  	_ =	shalt  }
0x6b: {  	_ =	shalt  }
0x6c: {  	_ =	shalt  }
0x6d: {  	_ =	shalt  }
0x6e: {  	_ =	shalt  }
0x6f: {  	_ =	shalt  }
0x70: {  	_ =	shalt  }
0x71: {  	_ =	shalt  }
0x72: {  	_ =	shalt  }
0x73: {  	_ =	shalt  }
0x74: {  	_ =	shalt  }
0x75: {  	_ =	shalt  }
0x76: {  	_ =	shalt  }
0x77: {  	_ =	shalt  }
0x78: {  	_ =	shalt  }
0x79: {  	_ =	shalt  }
0x7a: {  	_ =	shalt  }
0x7b: {  	_ =	shalt  }
0x7c: {  	_ =	shalt  }
0x7d: {  	_ =	shalt  }
0x7e: {  	_ =	shalt  }
0x7f: {  	_ =	shalt  }
0x80: {  	_ =	shalt  }
0x81: {  	_ =	shalt  }
0x82: {  	_ =	shalt  }
0x83: {  	_ =	shalt  }
0x84: {  	_ =	shalt  }
0x85: {  	_ =	shalt  }
0x86: {  	_ =	shalt  }
0x87: {  	_ =	shalt  }
.Lfunc_end0:
.L_simem_size_0:
called_computation.1_lowered:
.L_overlay_start_0:
0x88: {  	s2 =	sld [smem:$0x3FD9]  }
0x89: {  	s3 =	sld [smem:$0x3FFE];
	_ =	sdelay $0x1  }
0x8a: {  	s1 =	srdreg.scid  }
0x8b: {  	s0 =	sand.u32 $0x1, s1  }
0x8c: {  	s17 =	sshll.u32 s0, $0xA;
	s2 =	sadd.s32 s3, s2  }
0x8d: {  	s2 =	sadd.s32 s2, s17  }
0x8e: {  	[smem:$0x3FC5] =	sst s2  }
0x8f: {  	_ = 	snop  }
0x90: {  	s2 =	sld [smem:$0x3FC9]  }
0x91: {  	s18 =	sld [smem:$0x3FD0];
	(tm) =	ssettm $0x1  }
0x92: {  	s4 =	sld [smem:$0x3FFB];
	_ =	sdelay $0x3  }
0x93: {  	_ =	strace s4  }
0x94: {  	s4 =	sld [smem:$0x3FFC];
	_ =	sdelay $0x3  }
0x95: {  	_ =	strace s4  }
0x96: {  	s4 =	sld [smem:$0x3FFD];
	_ =	sdelay $0x3  }
0x97: {  	_ =	strace s4  }
0x98: {  	_ =	strace $0x8FFFFFFF  }
0x99: {  	s19 =	sld [smem:$0x3FDB];
	_ =	sdelay $0x1  }
0x9a: {  	s5 =	simm.s32 $_scs_section_size  }
0x9b: {  	s6 =	simm.s32 $_size__tile_overlayer_lowered;
	s7 =	simm.s32 $_tile_overlayer_lowered  }
0x9c: {  	s22 =	simm.s32 $0x1BFF;
	s21 =	sshll.u32 s7, $0x1;
	s4 =	sadd.s32 s5, s19  }
0x9d: {  	s8 =	simm.s32 $0x0;
	s20 =	sshll.u32 s6, $0x1;
	s6 =	sadd.s32 s21, s4  }
0x9e: {  	[timem:s8], [sflag:s22] =	dma.local [hbm:s6], s20  }
0x9f: {  	_ =	swait.ge [sflag:s22], s20  }
0xa0: {  	s5 =	ssub.s32 $0x0, s20;
	[sflag:s22] =	ssyncset.done $0x0  }
0xa1: {  	[sflag:s22] =	ssyncadd.s32 s5;
	_ =	sdelay $0x1  }
0xa2: {  	s23 =	simm.s32 $0x1B8B  }
0xa3: {  	_ =	swait.ge [sflag:s23], $0x1  }
0xa4: {  	[sflag:s23] =	ssyncset.done $0x0  }
0xa5: {  	s25 =	simm.s32 $0x1B8E;
	s24 =	sld [smem:$0x3FFE];
	[sflag:s23] =	ssyncadd.s32 $0xFFFFFFFF  }
0xa6: {  	s26 =	simm.s32 $execute0_lowered;
	[smem:$0x3FD2] =	sst s25  }
0xa7: {  	s6 =	sshll.u32 s26, $0x1;
	_ =	strace $0x80000046;
	[dreg:$0x1] =	wrdreg $0xFFFFFFFF  }
0xa8: {  	s28 =	simm.s32 $_size_execute0_lowered;
	s4 =	sadd.s32 s4, s6;
	[dreg:$0x0] =	wrdreg $0x0  }
0xa9: {  	s6 =	sshll.u32 s28, $0x1;
	[dreg:$0x2] =	wrdreg s4  }
0xaa: {  	[dreg:$0x3] =	wrdreg s6  }
0xab: {  	[dreg:$0x4] =	wrdreg $0xC0  }
0xac: {  	_ =	task [dreg:s8], $0x5FFFF  }
0xad: {  	[dreg:$0x1] =	wrdreg $0xFFFFFFFF  }
0xae: {  	[dreg:$0x0] =	wrdreg $0x60  }
0xaf: {  	[dreg:$0x2] =	wrdreg s2  }
0xb0: {  	[dreg:$0x3] =	wrdreg s24  }
0xb1: {  	[dreg:$0x4] =	wrdreg s18  }
0xb2: {  	[dreg:$0x5] =	wrdreg $0x9  }
0xb3: {  	_ =	task.clear_ibuf [dreg:s8], $0x6FFFF;
	_ =	strace $0x90000046  }
0xb4: {  	s29 =	simm.s32 $0x9;
	_ =	strace $0x80000048  }
0xb5: {  	_ =	swait.ge [sflag:s29], $0x1  }
0xb6: {  	[sflag:s29] =	ssyncadd.s32 $0xFFFFFFFF  }
0xb7: {  	_ =	strace $0x90000048  }
0xb8: {  	_ =	sfence  }
0xb9: {  	s30 =	sld [smem:$0x0];
	_ =	sdelay $0x2  }
0xba: {  	s31 =	sshll.u32 s1, $0xD;
	s1 =	sshrl.u32 s1, $0x2  }
0xbb: {  	s3 =	sand.u32 $0x4000, s31;
	s1 =	sadd.s32 s1, s30  }
0xbc: {  	s0 =	sor.u32 s3, s0;
	s1 =	sshll.u32 s1, $0x11  }
0xbd: {  	s0 =	sor.u32 s1, s0  }
0xbe: {  	s0 =	sadd.s32 $0x8F2B, s0  }
0xbf: {  	[sflag:s0] =	ssyncadd.remote.s32 $0x1  }
0xc0: {  	_ =	sfence.sel $0xFFFF  }
0xc1: {  	[dreg:$0x0] =	wrdreg $0xFFFFFFFF;
	(pc) =	sbr.abs _section_cstart, $3  }
0xc2: {  	[dreg:$0x1] =	wrdreg $0xFFFFFFFF  }
0xc3: {  	_ =	task.clear_ibuf [dreg:s8], $0x2FFFF;
	_ =	strace $0x9FFFFFFF  }
0xc4: {  	(tm) =	ssettm $0x7FFFFFFF  }
0xc5: {  	_ =	shalt  }
tec
execute0_lowered:
.L_overlay_start_1:
0x0: {  	(tag) =	ssettag $0x1  }
0x1: {  	s0 =	rddreg [dreg:$0x0]  }
0x2: {  	s1 =	rddreg [dreg:$0x1]  }
0x3: {  	s3 =	srdreg.scid;
	s5 =	stileid.u32  }
0x4: {  	s2 =	rddreg [dreg:$0x2];
	s12 =	simm.s32 $0x9;
	s13 =	simm.s32 $0x80  }
0x5: {  	s18 =	simm.s32 $0x100;
	s21 =	simm.s32 $0x180;
	s24 =	simm.s32 $0x1  }
0x6: {  	s28 =	simm.s32 $0xC400;
	s29 =	simm.s32 $0x3;
	s30 =	simm.s32 $0xD400  }
0x7: {  	s31 =	simm.s32 $0x4;
	s14 =	simm.s32 $0x6;
	s15 =	simm.s32 $0x7  }
0x8: {  	s16 =	simm.s32 $0x8;
	s4 =	sand.u32 $0x1, s3;
	s5 =	sshll.u32 s5, $0x1  }
0x9: {  	s17 =	simm.s32 $0x0;
	s3 =	simm.s32 $0x0;
	s6 =	sor.u32 s4, s5  }
0xa: {  	[smem:$0x7FF] =	sst s3;
	s7 =	ssub.s32 $0x2, s4;
	s4 =	sadd.s32 $0xF42C00, s1  }
0xb: {  	s5 =	sadd.s32 $0x1313600, s1;
	s10 =	smul.u32 $0x3400, s6;
	s8 =	sshrl.u32 s7, $0x1  }
0xc: {  	s1 =	simm.s32 $0xE400;
	_ =	strace $0x80000047;
	s25 =	ssub.s32 s7, s8  }
0xd: {  	s7 =	smul.u32 $0x68000, s6;
	s9 =	sshrl.u32 s10, $0x3;
	s8 =	sor.u32 $0x80, s10  }
0xe: {  	s26 =	smax.u32 s25, $0x1;
	s25 =	simm.s32 $0xB400;
	s0 =	sadd.s32 s0, s9  }
0xf: {  	s9 =	sor.u32 $0x100, s10;
	s10 =	sor.u32 $0x180, s10;
	[dreg:$0x5] =	wrdreg s26  }
0x10: {  	s26 =	simm.s32 $0x2;
	[dreg:$0x4] =	wrdreg s0;
	s0 =	simm.s32 $0x5  }
.LBB2_1:
0x11: {  	s6 =	rddreg [dreg:$0x4]  }
0x12: {  	[tilespmem:s3], [sflag:$0x9] =	stream.linear.gather [hbm4b:s6+s3], $0x3400, $0x38;
	[tilespmem:$0xF400] =	vst v63  }
0x13: {  	_ =	swait.ge [sflag:s12], $0x3400  }
0x14: {  	[sflag:s12] =	ssyncset.done $0x0  }
0x15: {  	s20 =	simm.s32 $0x3400;
	[sflag:s12] =	ssyncadd.s32 $0xFFFFCC00  }
0x16: {  	[tilespmem:s20], [sflag:$0x1] =	stream.indirect.gather [hbm4b:s4+s13], $0x20, s3, s13, $0xb8;
	[tilespmem:$0xF400] =	vst v63  }
0x17: {  	s22 =	simm.s32 $0x7400  }
0x18: {  	[tilespmem:s22], [sflag:$0x1] =	stream.indirect.gather [hbm4b:s5+s13], $0x20, s3, s13, $0xb8;
	[tilespmem:$0xF400] =	vst v63  }
0x19: {  	s23 =	simm.s32 $0x4400  }
0x1a: {  	[tilespmem:s23], [sflag:$0x2] =	stream.indirect.gather [hbm4b:s4+s13], $0x20, s13, s13, $0xb8;
	[tilespmem:$0xF400] =	vst v63  }
0x1b: {  	s11 =	simm.s32 $0x8400  }
0x1c: {  	[tilespmem:s11], [sflag:$0x2] =	stream.indirect.gather [hbm4b:s5+s13], $0x20, s13, s13, $0xb8;
	[tilespmem:$0xF400] =	vst v63  }
0x1d: {  	s19 =	simm.s32 $0x5400  }
0x1e: {  	[tilespmem:s19], [sflag:$0x3] =	stream.indirect.gather [hbm4b:s4+s13], $0x20, s18, s13, $0xb8;
	[tilespmem:$0xF400] =	vst v63  }
0x1f: {  	s20 =	simm.s32 $0x9400  }
0x20: {  	[tilespmem:s20], [sflag:$0x3] =	stream.indirect.gather [hbm4b:s5+s13], $0x20, s18, s13, $0xb8;
	[tilespmem:$0xF400] =	vst v63  }
0x21: {  	s22 =	simm.s32 $0x6400  }
0x22: {  	[tilespmem:s22], [sflag:$0x4] =	stream.indirect.gather [hbm4b:s4+s13], $0x20, s21, s13, $0xb8;
	[tilespmem:$0xF400] =	vst v63  }
0x23: {  	s23 =	simm.s32 $0xA400;
	s19 =	simm.s32 $0x0  }
0x24: {  	[tilespmem:s23], [sflag:$0x4] =	stream.indirect.gather [hbm4b:s5+s13], $0x20, s21, s13, $0xb8;
	[tilespmem:$0xF400] =	vst v63  }
.LBB2_2:
0x25: {  	_ =	swait.ge [sflag:s24], $0x1000  }
0x26: {  	[sflag:s24] =	ssyncset.done $0x0  }
0x27: {  	[sflag:s24] =	ssyncadd.s32 $0xFFFFF000  }
0x28: {  	_ =	swait.ge [sflag:s24], $0x1000  }
0x29: {  	p1 =	seq.s32 s19, $0x0;
	[sflag:s24] =	ssyncset.done $0x0  }
0x2a: {  	s6 =	simm.s32 @!p1 $0x5;
	[sflag:s24] =	ssyncadd.s32 $0xFFFFF000  }
0x2b: {  	_ =	swait.ge @!p1 [sflag:s6], $0x1000  }
0x2c: {  	[sflag:s6] =	ssyncset.done @!p1 $0x0  }
0x2d: {  	s22 =	simm.s32 $0x0;
	[sflag:s6] =	ssyncadd.s32 @!p1 $0xFFFFF000  }
0x2e: {  	v0 =	vld [tilespmem:s22+$0x3410]  }
0x2f: {  	v2 =	vld [tilespmem:s22+$0x7410]  }
0x30: {  	v1 =	vld [tilespmem:s22+$0x3400]  }
0x31: {  	v3 =	vld [tilespmem:s22+$0x7400]  }
0x32: {  	s20 =	sshll.u32 s19, $0xB;
	s23 =	simm.s32 $0x80  }
.LBB2_3:
0x33: {  	s6 =	sshra.s32 s23, $0x2;
	p0 =	sne.s32 s23, $0x3F80  }
.Ltmp0:
0x34: {  	s23 =	sadd.s32 $0x80, s23;
	v4 =	vadd.f32 v2, v0;
	v0 =	vld [tilespmem:s6+$0x3410];
	(pc) =	sbr.rel @p0 .LBB2_3-.Ltmp0, $4  }
0x35: {  	v2 =	vld [tilespmem:s6+$0x7410]  }
0x36: {  	v5 =	vadd.f32 v3, v1;
	v1 =	vld [tilespmem:s6+$0x3400];
	[tilespmem:s22+$0xB410] =	vst v4  }
0x37: {  	v3 =	vld [tilespmem:s6+$0x7400]  }
0x38: {  	[tilespmem:s22+$0xB400] =	vst v5;
	s22 =	smov.u32 s6  }
0x39: {  	_ =	sdelay $0x1  }
0x3a: {  	v0 =	vadd.f32 v2, v0  }
0x3b: {  	p0 =	seq.s32 s19, $0x19;
	v1 =	vadd.f32 v3, v1  }
0x3c: {  	s20 =	sshrl.u32 @!p0 s20, $0x2;
	[tilespmem:s22+$0xB410] =	vst v0  }
0x3d: {  	s23 =	simm.s32 @!p0 $0x3400;
	s6 =	sadd.s32 @!p0 $0x200, s20;
	[tilespmem:s22+$0xB400] =	vst v1;
	s22 =	simm.s32 @!p0 $0x80  }
0x3e: {  	[tilespmem:s23], [sflag:$0x1] =	stream.indirect.gather @!p0 [hbm4b:s4+s22], $0x20, s6, s22, $0xb8;
	[tilespmem:$0xF400] =	vst v63  }
0x3f: {  	s23 =	simm.s32 @!p0 $0x7400  }
0x40: {  	[tilespmem:s23], [sflag:$0x1] =	stream.indirect.gather @!p0 [hbm4b:s5+s22], $0x20, s6, s22, $0xb8;
	[tilespmem:$0xF400] =	vst v63  }
0x41: {  	s23 =	sshll.u32 s19, $0xE  }
0x42: {  	s6 =	sadd.s32 s7, s23  }
0x43: {  	s6 =	sshrl.u32 s6, $0x3  }
0x44: {  	s6 =	sadd.s32 s2, s6  }
0x45: {  	[hbm4b:s6+s3] =	stream.linear.scatter [tilespmem:s25], [sflag:$0x5], $0x1000, $0x38;
	[tilespmem:$0xF400] =	vst v63  }
0x46: {  	_ =	swait.ge [sflag:s26], $0x1000  }
0x47: {  	[sflag:s26] =	ssyncset.done $0x0  }
0x48: {  	[sflag:s26] =	ssyncadd.s32 $0xFFFFF000  }
0x49: {  	_ =	swait.ge [sflag:s26], $0x1000  }
0x4a: {  	[sflag:s26] =	ssyncset.done $0x0  }
0x4b: {  	s6 =	simm.s32 @!p1 $0x6;
	[sflag:s26] =	ssyncadd.s32 $0xFFFFF000  }
0x4c: {  	_ =	swait.ge @!p1 [sflag:s6], $0x1000  }
0x4d: {  	[sflag:s6] =	ssyncset.done @!p1 $0x0  }
0x4e: {  	s22 =	simm.s32 $0x0;
	[sflag:s6] =	ssyncadd.s32 @!p1 $0xFFFFF000  }
0x4f: {  	v0 =	vld [tilespmem:s22+$0x4410]  }
0x50: {  	v2 =	vld [tilespmem:s22+$0x8410]  }
0x51: {  	v1 =	vld [tilespmem:s22+$0x4400]  }
0x52: {  	v3 =	vld [tilespmem:s22+$0x8400]  }
0x53: {  	s23 =	simm.s32 $0x80  }
.LBB2_5:
0x54: {  	s6 =	sshra.s32 s23, $0x2;
	p2 =	sne.s32 s23, $0x3F80  }
.Ltmp1:
0x55: {  	s23 =	sadd.s32 $0x80, s23;
	v4 =	vadd.f32 v2, v0;
	v0 =	vld [tilespmem:s6+$0x4410];
	(pc) =	sbr.rel @p2 .LBB2_5-.Ltmp1, $4  }
0x56: {  	v2 =	vld [tilespmem:s6+$0x8410]  }
0x57: {  	v5 =	vadd.f32 v3, v1;
	v1 =	vld [tilespmem:s6+$0x4400];
	[tilespmem:s22+$0xC410] =	vst v4  }
0x58: {  	v3 =	vld [tilespmem:s6+$0x8400]  }
0x59: {  	[tilespmem:s22+$0xC400] =	vst v5;
	s22 =	smov.u32 s6  }
0x5a: {  	_ =	sdelay $0x1  }
0x5b: {  	v0 =	vadd.f32 v2, v0  }
0x5c: {  	v1 =	vadd.f32 v3, v1  }
0x5d: {  	[tilespmem:s22+$0xC410] =	vst v0  }
0x5e: {  	s6 =	sadd.s32 @!p0 $0x280, s20;
	s23 =	simm.s32 @!p0 $0x4400;
	[tilespmem:s22+$0xC400] =	vst v1;
	s22 =	simm.s32 @!p0 $0x80  }
0x5f: {  	[tilespmem:s23], [sflag:$0x2] =	stream.indirect.gather @!p0 [hbm4b:s4+s22], $0x20, s6, s22, $0xb8;
	[tilespmem:$0xF400] =	vst v63  }
0x60: {  	s23 =	simm.s32 @!p0 $0x8400  }
0x61: {  	[tilespmem:s23], [sflag:$0x2] =	stream.indirect.gather @!p0 [hbm4b:s5+s22], $0x20, s6, s22, $0xb8;
	[tilespmem:$0xF400] =	vst v63  }
0x62: {  	s22 =	sshll.u32 s19, $0x9  }
0x63: {  	s23 =	sadd.s32 s22, s8  }
0x64: {  	s6 =	sshll.u32 s23, $0x2  }
0x65: {  	s6 =	sand.u32 $0x1FFFFA00, s6  }
0x66: {  	s6 =	sadd.s32 s2, s6  }
0x67: {  	[hbm4b:s6+s3] =	stream.linear.scatter [tilespmem:s28], [sflag:$0x6], $0x1000, $0x38;
	[tilespmem:$0xF400] =	vst v63  }
0x68: {  	_ =	swait.ge [sflag:s29], $0x1000  }
0x69: {  	[sflag:s29] =	ssyncset.done $0x0  }
0x6a: {  	[sflag:s29] =	ssyncadd.s32 $0xFFFFF000  }
0x6b: {  	_ =	swait.ge [sflag:s29], $0x1000  }
0x6c: {  	[sflag:s29] =	ssyncset.done $0x0  }
0x6d: {  	s6 =	simm.s32 @!p1 $0x7;
	[sflag:s29] =	ssyncadd.s32 $0xFFFFF000  }
0x6e: {  	_ =	swait.ge @!p1 [sflag:s6], $0x1000  }
0x6f: {  	[sflag:s6] =	ssyncset.done @!p1 $0x0  }
0x70: {  	s23 =	simm.s32 $0x0;
	[sflag:s6] =	ssyncadd.s32 @!p1 $0xFFFFF000  }
0x71: {  	v0 =	vld [tilespmem:s23+$0x5410]  }
0x72: {  	v2 =	vld [tilespmem:s23+$0x9410]  }
0x73: {  	v1 =	vld [tilespmem:s23+$0x5400]  }
0x74: {  	v3 =	vld [tilespmem:s23+$0x9400]  }
0x75: {  	s6 =	simm.s32 $0x80  }
.LBB2_7:
0x76: {  	s11 =	sshra.s32 s6, $0x2;
	p2 =	sne.s32 s6, $0x3F80  }
.Ltmp2:
0x77: {  	s6 =	sadd.s32 $0x80, s6;
	v4 =	vadd.f32 v2, v0;
	v0 =	vld [tilespmem:s11+$0x5410];
	(pc) =	sbr.rel @p2 .LBB2_7-.Ltmp2, $4  }
0x78: {  	v2 =	vld [tilespmem:s11+$0x9410]  }
0x79: {  	v5 =	vadd.f32 v3, v1;
	v1 =	vld [tilespmem:s11+$0x5400];
	[tilespmem:s23+$0xD410] =	vst v4  }
0x7a: {  	v3 =	vld [tilespmem:s11+$0x9400]  }
0x7b: {  	[tilespmem:s23+$0xD400] =	vst v5;
	s23 =	smov.u32 s11  }
0x7c: {  	_ =	sdelay $0x1  }
0x7d: {  	v0 =	vadd.f32 v2, v0  }
0x7e: {  	v1 =	vadd.f32 v3, v1  }
0x7f: {  	[tilespmem:s23+$0xD410] =	vst v0  }
0x80: {  	s6 =	sadd.s32 @!p0 $0x300, s20;
	s11 =	simm.s32 @!p0 $0x80;
	[tilespmem:s23+$0xD400] =	vst v1;
	s23 =	simm.s32 @!p0 $0x5400  }
0x81: {  	[tilespmem:s23], [sflag:$0x3] =	stream.indirect.gather @!p0 [hbm4b:s4+s11], $0x20, s6, s11, $0xb8;
	[tilespmem:$0xF400] =	vst v63  }
0x82: {  	s23 =	simm.s32 @!p0 $0x9400  }
0x83: {  	[tilespmem:s23], [sflag:$0x3] =	stream.indirect.gather @!p0 [hbm4b:s5+s11], $0x20, s6, s11, $0xb8;
	[tilespmem:$0xF400] =	vst v63  }
0x84: {  	s23 =	sadd.s32 s22, s9  }
0x85: {  	s6 =	sshll.u32 s23, $0x2  }
0x86: {  	s6 =	sand.u32 $0x1FFFFC00, s6  }
0x87: {  	s6 =	sadd.s32 s2, s6  }
0x88: {  	[hbm4b:s6+s3] =	stream.linear.scatter [tilespmem:s30], [sflag:$0x7], $0x1000, $0x38;
	[tilespmem:$0xF400] =	vst v63  }
0x89: {  	_ =	swait.ge [sflag:s31], $0x1000  }
0x8a: {  	[sflag:s31] =	ssyncset.done $0x0  }
0x8b: {  	[sflag:s31] =	ssyncadd.s32 $0xFFFFF000  }
0x8c: {  	_ =	swait.ge [sflag:s31], $0x1000  }
0x8d: {  	[sflag:s31] =	ssyncset.done $0x0  }
0x8e: {  	s6 =	simm.s32 @!p1 $0x8;
	[sflag:s31] =	ssyncadd.s32 $0xFFFFF000  }
0x8f: {  	_ =	swait.ge @!p1 [sflag:s6], $0x1000  }
0x90: {  	[sflag:s6] =	ssyncset.done @!p1 $0x0  }
0x91: {  	s23 =	simm.s32 $0x0;
	[sflag:s6] =	ssyncadd.s32 @!p1 $0xFFFFF000  }
0x92: {  	v0 =	vld [tilespmem:s23+$0x6410]  }
0x93: {  	v2 =	vld [tilespmem:s23+$0xA410]  }
0x94: {  	v1 =	vld [tilespmem:s23+$0x6400]  }
0x95: {  	v3 =	vld [tilespmem:s23+$0xA400]  }
0x96: {  	s6 =	simm.s32 $0x80  }
.LBB2_9:
0x97: {  	s11 =	sshra.s32 s6, $0x2;
	p1 =	sne.s32 s6, $0x3F80  }
.Ltmp3:
0x98: {  	s6 =	sadd.s32 $0x80, s6;
	v4 =	vadd.f32 v2, v0;
	v0 =	vld [tilespmem:s11+$0x6410];
	(pc) =	sbr.rel @p1 .LBB2_9-.Ltmp3, $4  }
0x99: {  	v2 =	vld [tilespmem:s11+$0xA410]  }
0x9a: {  	v5 =	vadd.f32 v3, v1;
	v1 =	vld [tilespmem:s11+$0x6400];
	[tilespmem:s23+$0xE410] =	vst v4  }
0x9b: {  	v3 =	vld [tilespmem:s11+$0xA400]  }
0x9c: {  	[tilespmem:s23+$0xE400] =	vst v5;
	s23 =	smov.u32 s11  }
0x9d: {  	_ =	sdelay $0x1  }
0x9e: {  	v0 =	vadd.f32 v2, v0  }
0x9f: {  	v1 =	vadd.f32 v3, v1  }
0xa0: {  	[tilespmem:s23+$0xE410] =	vst v0  }
0xa1: {  	s6 =	sadd.s32 @!p0 $0x380, s20;
	s11 =	simm.s32 @!p0 $0x80;
	s20 =	simm.s32 @!p0 $0x6400;
	[tilespmem:s23+$0xE400] =	vst v1  }
0xa2: {  	[tilespmem:s20], [sflag:$0x4] =	stream.indirect.gather @!p0 [hbm4b:s4+s11], $0x20, s6, s11, $0xb8;
	[tilespmem:$0xF400] =	vst v63  }
0xa3: {  	s19 =	sadd.s32 $0x1, s19;
	s20 =	simm.s32 @!p0 $0xA400  }
0xa4: {  	[tilespmem:s20], [sflag:$0x4] =	stream.indirect.gather @!p0 [hbm4b:s5+s11], $0x20, s6, s11, $0xb8;
	[tilespmem:$0xF400] =	vst v63  }
0xa5: {  	p0 =	sne.s32 s19, $0x1A  }
.Ltmp4:
0xa6: {  	s23 =	sadd.s32 s22, s10;
	(pc) =	sbr.rel @p0 .LBB2_2-.Ltmp4, $4  }
0xa7: {  	s6 =	sshll.u32 s23, $0x2  }
0xa8: {  	s6 =	sand.u32 $0x1FFFFE00, s6  }
0xa9: {  	s6 =	sadd.s32 s2, s6  }
0xaa: {  	[hbm4b:s6+s3] =	stream.linear.scatter [tilespmem:s1], [sflag:$0x8], $0x1000, $0x38;
	[tilespmem:$0xF400] =	vst v63  }
0xab: {  	_ =	swait.ge [sflag:s0], $0x1000  }
0xac: {  	[sflag:s0] =	ssyncset.done $0x0  }
0xad: {  	[sflag:s0] =	ssyncadd.s32 $0xFFFFF000  }
0xae: {  	_ =	swait.ge [sflag:s14], $0x1000  }
0xaf: {  	[sflag:s14] =	ssyncset.done $0x0  }
0xb0: {  	[sflag:s14] =	ssyncadd.s32 $0xFFFFF000  }
0xb1: {  	_ =	swait.ge [sflag:s15], $0x1000  }
0xb2: {  	[sflag:s15] =	ssyncset.done $0x0  }
0xb3: {  	[sflag:s15] =	ssyncadd.s32 $0xFFFFF000  }
0xb4: {  	_ =	swait.ge [sflag:s16], $0x1000  }
0xb5: {  	s17 =	sadd.s32 $0x1, s17;
	s6 =	rddreg [dreg:$0x5]  }
0xb6: {  	p0 =	sne.s32 s17, s6  }
.Ltmp5:
0xb7: {  	_ = 	snop;
	(pc) =	sbr.rel @p0 .LBB2_1-.Ltmp5, $3  }
0xb8: {  	_ =	sdelay $0x1  }
0xb9: {  	[sflag:s16] =	ssyncset.done $0x0  }
0xba: {  	[sflag:s16] =	ssyncadd.s32 $0xFFFFF000  }
0xbb: {  	_ =	sfence.sel $0x180000  }
0xbc: {  	[bflag:$0x0] =	sbarrier.arrive $0xFFFF  }
0xbd: {  	_ =	strace $0x90000047  }
0xbe: {  	s0 =	stileid.u32;
	[bflag:$0x2] =	sbarrier.arrive $0xFFFF  }
0xbf: {  	p0 =	sne.s32 s0, $0x0;
	s0 =	rddreg [dreg:$0x3]  }
0xc0: {  	s0 =	sadd.s32 @!p0 $0x100000, s0  }
0xc1: {  	[sflag:s0] =	ssyncadd.tile.s32 @!p0 $0x1;
	_ =	shalt  }
.Lfunc_end2:
_tile_overlayer_lowered:
.L_overlay_start_2:
0xc2: {  	(tag) =	ssettag $0x2  }
0xc3: {  	s0 =	rddreg [dreg:$0x0];
	s2 =	stileid.u32  }
0xc4: {  	s1 =	rddreg [dreg:$0x1];
	p0 =	sne.s32 s2, $0x0  }
0xc5: {  	s3 =	rddreg [dreg:$0x2];
	[bflag:$0x3] =	sbarrier.arrive $0xFFFF;
	s2 =	simm.s32 @!p0 $0x1C09  }
0xc6: {  	[timem:s3], [sflag:s2] =	dma.local @!p0 [hbm:s0], s1  }
0xc7: {  	s0 =	simm.s32 @!p0 $0x9  }
0xc8: {  	_ =	swait.ge @!p0 [sflag:s0], s1  }
0xc9: {  	s1 =	ssub.s32 @!p0 $0x0, s1;
	[sflag:s0] =	ssyncset.done @!p0 $0x0  }
0xca: {  	[sflag:s0] =	ssyncadd.s32 @!p0 s1  }
0xcb: {  	[bflag:$0x3] =	sbarrier.arrive $0xFFFF  }
0xcc: {  	_ =	shalt  }

// kernel: sparse-core-data-format-call.cloned.1.call-start
scs
called_computation_lowered:
.L_overlay_start_0:
0x0: {  	s2 =	sld [smem:$0x3FD9]  }
0x1: {  	s3 =	sld [smem:$0x3FFE];
	_ =	sdelay $0x1  }
0x2: {  	s1 =	srdreg.scid  }
0x3: {  	s0 =	sand.u32 $0x1, s1  }
0x4: {  	s18 =	sshll.u32 s0, $0xA;
	s2 =	sadd.s32 s3, s2  }
0x5: {  	s2 =	sadd.s32 s2, s18  }
0x6: {  	[smem:$0x3FC5] =	sst s2  }
0x7: {  	_ = 	snop  }
0x8: {  	s2 =	sld [smem:$0x3FD0];
	(tm) =	ssettm $0x1  }
0x9: {  	s19 =	sld [smem:$0x3FFB];
	_ =	sdelay $0x3  }
0xa: {  	_ =	strace s19  }
0xb: {  	s3 =	sld [smem:$0x3FFC];
	_ =	sdelay $0x3  }
0xc: {  	_ =	strace s3  }
0xd: {  	s3 =	sld [smem:$0x3FFD];
	_ =	sdelay $0x3  }
0xe: {  	_ =	strace s3  }
0xf: {  	_ =	strace $0x8FFFFFFF  }
0x10: {  	s20 =	sld [smem:$0x3FDB];
	_ =	sdelay $0x1  }
0x11: {  	s4 =	simm.s32 $_scs_section_size  }
0x12: {  	s5 =	simm.s32 $_size__tile_overlayer_lowered;
	s6 =	simm.s32 $_tile_overlayer_lowered  }
0x13: {  	s23 =	simm.s32 $0x1BFF;
	s22 =	sshll.u32 s6, $0x1;
	s3 =	sadd.s32 s4, s20  }
0x14: {  	s7 =	simm.s32 $0x0;
	s21 =	sshll.u32 s5, $0x1;
	s5 =	sadd.s32 s22, s3  }
0x15: {  	[timem:s7], [sflag:s23] =	dma.local [hbm:s5], s21  }
0x16: {  	_ =	swait.ge [sflag:s23], s21  }
0x17: {  	s4 =	ssub.s32 $0x0, s21;
	[sflag:s23] =	ssyncset.done $0x0  }
0x18: {  	[sflag:s23] =	ssyncadd.s32 s4;
	_ =	sdelay $0x1  }
0x19: {  	s24 =	simm.s32 $0x1B8B  }
0x1a: {  	_ =	swait.ge [sflag:s24], $0x1  }
0x1b: {  	[sflag:s24] =	ssyncset.done $0x0  }
0x1c: {  	s26 =	simm.s32 $0x1B8E;
	s25 =	sld [smem:$0x3FFE];
	[sflag:s24] =	ssyncadd.s32 $0xFFFFFFFF  }
0x1d: {  	s27 =	simm.s32 $execute0_lowered;
	[smem:$0x3FD2] =	sst s26  }
0x1e: {  	s5 =	sshll.u32 s27, $0x1;
	_ =	strace $0x80000049;
	[dreg:$0x1] =	wrdreg $0xFFFFFFFF  }
0x1f: {  	s28 =	simm.s32 $_size_execute0_lowered;
	s3 =	sadd.s32 s3, s5;
	[dreg:$0x0] =	wrdreg $0x0  }
0x20: {  	s5 =	sshll.u32 s28, $0x1;
	[dreg:$0x2] =	wrdreg s3  }
0x21: {  	[dreg:$0x3] =	wrdreg s5  }
0x22: {  	[dreg:$0x4] =	wrdreg $0xC0  }
0x23: {  	_ =	task [dreg:s7], $0x5FFFF  }
0x24: {  	[dreg:$0x1] =	wrdreg $0xFFFFFFFF  }
0x25: {  	[dreg:$0x0] =	wrdreg $0x60  }
0x26: {  	[dreg:$0x2] =	wrdreg s25  }
0x27: {  	[dreg:$0x3] =	wrdreg s2  }
0x28: {  	[dreg:$0x4] =	wrdreg $0x9  }
0x29: {  	_ =	task.clear_ibuf [dreg:s7], $0x5FFFF;
	_ =	strace $0x90000049  }
0x2a: {  	s29 =	simm.s32 $0x9;
	_ =	strace $0x8000004B  }
0x2b: {  	_ =	swait.ge [sflag:s29], $0x1  }
0x2c: {  	[sflag:s29] =	ssyncadd.s32 $0xFFFFFFFF  }
0x2d: {  	_ =	strace $0x9000004B  }
0x2e: {  	_ =	sfence  }
0x2f: {  	s30 =	sld [smem:$0x0];
	_ =	sdelay $0x2  }
0x30: {  	s31 =	sshll.u32 s1, $0xD;
	s1 =	sshrl.u32 s1, $0x2  }
0x31: {  	s3 =	sand.u32 $0x4000, s31;
	s1 =	sadd.s32 s1, s30  }
0x32: {  	s0 =	sor.u32 s3, s0;
	s1 =	sshll.u32 s1, $0x11  }
0x33: {  	s0 =	sor.u32 s1, s0  }
0x34: {  	s0 =	sadd.s32 $0x8F2B, s0  }
0x35: {  	[sflag:s0] =	ssyncadd.remote.s32 $0x1  }
0x36: {  	_ =	sfence.sel $0xFFFF  }
0x37: {  	[dreg:$0x0] =	wrdreg $0xFFFFFFFF;
	(pc) =	sbr.abs _section_cstart, $3  }
0x38: {  	[dreg:$0x1] =	wrdreg $0xFFFFFFFF  }
0x39: {  	_ =	task.clear_ibuf [dreg:s7], $0x2FFFF;
	_ =	strace $0x9FFFFFFF  }
0x3a: {  	(tm) =	ssettm $0x7FFFFFFF  }
0x3b: {  	_ =	shalt  }
tec
execute0_lowered:
.L_overlay_start_1:
0x0: {  	(tag) =	ssettag $0x1  }
0x1: {  	s0 =	srdreg.scid  }
0x2: {  	s1 =	sshll.u32 s0, $0x4  }
0x3: {  	s4 =	rddreg [dreg:$0x0];
	s0 =	stileid.u32;
	s1 =	sand.u32 $0x10, s1  }
0x4: {  	s2 =	rddreg [dreg:$0x1];
	s7 =	simm.s32 $0x1;
	s1 =	sor.u32 s0, s1  }
0x5: {  	s8 =	simm.s32 $0x2;
	s11 =	simm.s32 $0x0;
	s3 =	sshll.u32 s1, $0x7  }
0x6: {  	s10 =	simm.s32 $0x0;
	s4 =	sadd.s32 $0x800, s4;
	s6 =	ssub.s32 $0x68000, s3  }
.Ltmp0:
0x7: {  	s1 =	rddreg [dreg:$0x2];
	s5 =	sand.u32 $0xF80, s6;
	(pc) =	sbr.rel .LBB1_1-.Ltmp0, $4  }
0x8: {  	_ =	strace $0x8000004A;
	s9 =	smov.u32 s3;
	p0 =	sne.s32 s5, $0x0  }
0x9: {  	s6 =	sshrl.u32 s6, $0xC;
	s5 =	simm.s32 $0x1;
	s7 =	simm.s32 @!p0 $0x0  }
0xa: {  	[sflag:s5] =	ssyncpa.u1 $0x0;
	p0 =	por $0x0, $0x0;
	s6 =	sadd.s32 s7, s6  }
0xb: {  	[sflag:s8] =	ssyncpa.u1 $0x0;
	s8 =	simm.s32 $0x340000;
	s7 =	sadd.s32 $0x1, s6  }
.LBB1_4:
0xc: {  	s14 =	sshll.u32 s11, $0x3  }
0xd: {  	s30 =	sand.u32 $0x7F, s11;
	s15 =	sand.u32 $0xFFFFFC00, s14  }
0xe: {  	s11 =	sor.u32 s30, s15  }
0xf: {  	s15 =	smulhi.u32 $0x4EC4EC4F, s11  }
0x10: {  	s14 =	smulhi.u32 $0x4EC4EC4F, s14  }
0x11: {  	s15 =	sshrl.u32 s15, $0x11  }
0x12: {  	s14 =	sshrl.u32 s14, $0x11;
	s15 =	smul.u32 $0x68000, s15  }
0x13: {  	s14 =	sand.u32 $0x1F, s14  }
0x14: {  	s14 =	smul.u32 $0xD000, s14;
	s11 =	ssub.s32 s11, s15  }
0x15: {  	s15 =	sand.u32 $0x7, s11  }
0x16: {  	s14 =	sadd.s32 s2, s14;
	s11 =	sshrl.u32 s11, $0x3;
	s15 =	sshll.u32 s15, $0x12  }
0x17: {  	[tilespmem:s13+$0x0 ss:$0x81] =	vst.msk $0xffff, v0;
	s11 =	sadd.s32 s11, s14;
	s31 =	sor.u32 $0x400, s15  }
0x18: {  	[hbm4b:s11+s31] =	stream.strided.scatter [tilespmem:s12], [sflag:$0x2], $0x1000, s8, s31, $0x20;
	[tilespmem:$0x4040] =	vst v63  }
.LBB1_5:
0x19: {  	s13 =	sadd.s32 $0x1000, s9  }
0x1a: {  	p2 =	sgt.s32 s13, $0x67FFF  }
0x1b: {  	s13 =	smov.u32 @p2 s3;
	p2 =	sne.s32 s10, s7  }
.Ltmp1:
0x1c: {  	p1 =	slt.u32 s10, $0x2;
	(pc) =	sbr.rel @!p2 .LBB1_6-.Ltmp1, $4  }
0x1d: {  	s12 =	simm.s32 @!p1 $0x2  }
0x1e: {  	s14 =	sadd.s32 $0x1, s10;
	_ =	swait.ge @!p1 [sflag:s12], $0x1000  }
0x1f: {  	s11 =	smov.u32 s9;
	p0 =	por !p0, !p0;
	[sflag:s12] =	ssyncset.done @!p1 $0x0  }
0x20: {  	s10 =	smov.u32 s14;
	s9 =	smov.u32 s13;
	[sflag:s12] =	ssyncadd.s32 @!p1 $0xFFFFF000  }
.LBB1_1:
0x21: {  	p1 =	sge.u32 s10, s6  }
0x22: {  	s12 =	sand.u32 @!p1 $0x1FFFFFF, s9  }
0x23: {  	s13 =	smulhi.u32 @!p1 $0x2762763, s12;
	_ =	sdelay $0x1  }
0x24: {  	s13 =	sshrl.u32 @!p1 s13, $0xC  }
0x25: {  	s13 =	smul.u32 @!p1 $0x68000, s13;
	_ =	sdelay $0x1  }
0x26: {  	s31 =	sadd.s32 $0xFFFFFFFF, s10;
	s14 =	sxor.u32 @!p1 $0xFFFFFFFF, s10;
	s12 =	ssub.s32 @!p1 s12, s13  }
0x27: {  	s15 =	simm.s32 @!p1 $0x80;
	s14 =	sshll.u32 @!p1 s14, $0xC;
	s12 =	sshll.u32 @!p1 s12, $0x4  }
0x28: {  	s13 =	sand.u32 @!p1 $0x1000, s14;
	s14 =	simm.s32 @!p1 $0x20;
	s12 =	sadd.s32 @!p1 s4, s12  }
0x29: {  	[tilespmem:s13], [sflag:$0x1] =	stream.strided.gather @!p1 [hbm4b:s12+s14], $0x1000, s15, s14, $0x38;
	[tilespmem:$0x4040] =	vst v63  }
0x2a: {  	p1 =	sge.u32 s31, s6  }
.Ltmp2:
0x2b: {  	_ = 	snop;
	(pc) =	sbr.rel @p1 .LBB1_5-.Ltmp2, $1  }
0x2c: {  	_ =	sdelay $0x3  }
0x2d: {  	s12 =	simm.s32 $0x1  }
0x2e: {  	_ =	swait.ge [sflag:s5], $0x1000;
	s12 =	simm.s32 @!p0 $0x0  }
0x2f: {  	[sflag:s5] =	ssyncset.done $0x0;
	s13 =	sshll.u32 s12, $0xC  }
0x30: {  	[sflag:s5] =	ssyncadd.s32 $0xFFFFF000;
	s16 =	sor.u32 $0x10, s13  }
0x31: {  	s12 =	smul.u32 $0x4080, s12;
	v1 =	vld [tilespmem:s16+$0x0]  }
0x32: {  	s30 =	sand.u32 $0x1, s10;
	v0 =	vld [tilespmem:s16+$0xFFFFFFF0]  }
0x33: {  	s13 =	smul.u32 $0x4080, s30;
	s12 =	sshrl.u32 s12, $0x2  }
0x34: {  	s14 =	sor.u32 $0x2000, s12  }
0x35: {  	s31 =	sshrl.u32 s13, $0x2;
	s13 =	sadd.s32 $0x0, s14  }
0x36: {  	s15 =	simm.s32 $0x4;
	s16 =	sadd.s32 $0x20, s16;
	s12 =	sor.u32 $0x2000, s31;
	[tilespmem:s13+$0x810 ss:$0x81] =	vst.msk $0xffff, v1  }
.LBB1_3:
0x37: {  	v1 =	vld [tilespmem:s16+$0x0];
	p1 =	sne.s32 s15, $0x1FC;
	[tilespmem:s13+$0x0 ss:$0x81] =	vst.msk $0xffff, v0;
	s13 =	smov.u32 s15;
	s15 =	sadd.s32 $0x4, s15  }
.Ltmp3:
0x38: {  	v0 =	vld [tilespmem:s16+$0xFFFFFFF0];
	(pc) =	sbr.rel @p1 .LBB1_3-.Ltmp3, $4  }
0x39: {  	_ = 	snop  }
0x3a: {  	s13 =	sshra.s32 s13, $0x2  }
0x3b: {  	s13 =	sadd.s32 s13, s14  }
0x3c: {  	s16 =	sadd.s32 $0x20, s16;
	[tilespmem:s13+$0x810 ss:$0x81] =	vst.msk $0xffff, v1  }
.Ltmp4:
0x3d: {  	_ = 	snop;
	(pc) =	sbr.rel .LBB1_4-.Ltmp4, $1  }
0x3e: {  	_ =	sdelay $0x3  }
.LBB1_6:
0x3f: {  	_ =	sfence.sel $0x180000  }
0x40: {  	s2 =	simm.s32 $0x1;
	[bflag:$0x0] =	sbarrier.arrive $0xFFFF  }
0x41: {  	s31 =	simm.s32 $0x2;
	[sflag:s2] =	ssyncpa.u1 $0x1  }
0x42: {  	[sflag:s31] =	ssyncpa.u1 $0x1  }
0x43: {  	p0 =	sne.s32 s0, $0x0;
	_ =	strace $0x9000004A  }
0x44: {  	s0 =	sadd.s32 @!p0 $0x100000, s1;
	[bflag:$0x2] =	sbarrier.arrive $0xFFFF  }
0x45: {  	[sflag:s0] =	ssyncadd.tile.s32 @!p0 $0x1;
	_ =	shalt  }
.Lfunc_end1:
_tile_overlayer_lowered:
.L_overlay_start_2:
0x46: {  	(tag) =	ssettag $0x2  }
0x47: {  	s0 =	rddreg [dreg:$0x0];
	s2 =	stileid.u32  }
0x48: {  	s1 =	rddreg [dreg:$0x1];
	p0 =	sne.s32 s2, $0x0  }
0x49: {  	s3 =	rddreg [dreg:$0x2];
	[bflag:$0x3] =	sbarrier.arrive $0xFFFF;
	s2 =	simm.s32 @!p0 $0x1C01  }
0x4a: {  	[timem:s3], [sflag:s2] =	dma.local @!p0 [hbm:s0], s1  }
0x4b: {  	s0 =	simm.s32 @!p0 $0x1  }
0x4c: {  	_ =	swait.ge @!p0 [sflag:s0], s1  }
0x4d: {  	s1 =	ssub.s32 @!p0 $0x0, s1;
	[sflag:s0] =	ssyncset.done @!p0 $0x0  }
0x4e: {  	[sflag:s0] =	ssyncadd.s32 @!p0 s1  }
0x4f: {  	[bflag:$0x3] =	sbarrier.arrive $0xFFFF  }
0x50: {  	_ =	shalt  }

</sc_bundles>
